<compile_context>
chip_gen: v7x
topology: tpu7x:2x2x1
jax: 0.10.2.dev20260603
libtpu: 0.0.44.dev20260713+nightly
codegen_flags: <defaults>
</compile_context>

<pallas_src>
import functools

import jax
import jax.numpy as jnp
from jax import lax
from jax.experimental import pallas as pl
from jax.experimental.pallas import tpu as pltpu
from jax.experimental.pallas import tpu_sc as plsc

_B = 16384
_D = 512
_OUT_LO = 120
_OUT_HI = 136
_NC = 2
_NS = 16
_NW = _NC * _NS
_G = _B * _D // 1024
_GPW = _G // _NW
_CG = 32
_NCHUNK = _GPW // _CG
_NBUF = 3


def _overwrite(buf, lane, two):
    for j in range(_CG // 16):
        g16 = lane + (j * 16)
        for s, l in ((0, 120), (4, 120), (1, 8), (5, 8)):
            plsc.store_scatter(
                buf,
                [g16, jnp.full((16,), s, jnp.int32),
                 jnp.full((16,), l, jnp.int32)],
                two)


def _sc_body(x_hbm, out_hbm, *scratch):
    bufs = scratch[:_NBUF]
    sin = scratch[_NBUF:2 * _NBUF]
    sout = scratch[2 * _NBUF:3 * _NBUF]
    wid = lax.axis_index("s") * _NC + lax.axis_index("c")
    base = wid * _GPW
    lane = lax.iota(jnp.int32, 16)
    two = jnp.full((16,), 2.0, jnp.float32)
    in_cp = [None] * _NBUF
    out_cp = [None] * _NBUF
    for i in range(min(_NBUF, _NCHUNK)):
        in_cp[i] = pltpu.async_copy(
            x_hbm.at[pl.ds(base + i * _CG, _CG)], bufs[i], sin[i])
    for i in range(_NCHUNK):
        b = i % _NBUF
        in_cp[b].wait()
        _overwrite(bufs[b], lane, two)
        out_cp[b] = pltpu.async_copy(
            bufs[b], out_hbm.at[pl.ds(base + i * _CG, _CG)], sout[b])
        nxt = i + _NBUF
        if nxt < _NCHUNK:
            out_cp[b].wait()
            in_cp[b] = pltpu.async_copy(
                x_hbm.at[pl.ds(base + nxt * _CG, _CG)], bufs[b], sin[b])
    for i in range(max(0, _NCHUNK - _NBUF), _NCHUNK):
        out_cp[i % _NBUF].wait()


_sc_call = functools.partial(
    pl.kernel,
    out_type=jax.ShapeDtypeStruct((_G, 8, 128), jnp.float32),
    mesh=plsc.VectorSubcoreMesh(core_axis_name="c", subcore_axis_name="s"),
    scratch_types=(
        [pltpu.VMEM((_CG, 8, 128), jnp.float32)] * _NBUF
        + [pltpu.SemaphoreType.DMA] * (2 * _NBUF)
    ),
    compiler_params=pltpu.CompilerParams(
        needs_layout_passes=False, use_tc_tiling_on_sc=True),
)(_sc_body)


def kernel(x_bd):
    out = _sc_call(x_bd.reshape(_G, 8, 128))
    return out.reshape(_B, 1, _D)

# --- scband reference (transcript-rebuilt; emitter-appended) ---
"""Pipeline reference for scband-embedding-adapter-7945689497943 (READ-ONLY COPY).

The authoritative reference and input builder live on the scoring server;
editing this copy changes nothing except your own understanding.
"""

import jax, jax.numpy as jnp
import numpy as np

B = 16384
BD_ALU_LO = 0
BD_ALU_HI = 16
BD_AX_CARRY_LO = 32
BD_OP_START = 48
BD_OUTPUT_LO = 120
BD_OUTPUT_HI = 136
N_POS = 8
GE_DIM = 160
GE_NIB_A = 0
GE_NIB_B = 1
GE_RESULT = 2
GE_OP_START = 80


def setup_inputs(seed: int = 0) -> dict:
    key = jax.random.key(seed)
    x_bd = jax.random.uniform(key, (B, 1, 512), dtype=jnp.float32)
    return {"x_bd": x_bd}


def _bd_to_ge(x_bd):
    Bsz = x_bd.shape[0]
    kvec = jnp.arange(16, dtype=x_bd.dtype)
    x_ge = jnp.zeros((Bsz, N_POS, GE_DIM), dtype=x_bd.dtype)
    # sum_k x_bd[:,0,ALU_LO+k]*k -> scalar nibble values
    alu_lo = jnp.sum(x_bd[:, 0, BD_ALU_LO:BD_ALU_LO + 16] * kvec, axis=-1)
    alu_hi = jnp.sum(x_bd[:, 0, BD_ALU_HI:BD_ALU_HI + 16] * kvec, axis=-1)
    x_ge = x_ge.at[:, 0, GE_NIB_A].add(alu_lo)
    x_ge = x_ge.at[:, 1, GE_NIB_A].add(alu_hi)
    # shift amount: val_k = x*k; pos0 += val % 16, pos1 += val // 16 (summed over k)
    val = x_bd[:, 0, BD_AX_CARRY_LO:BD_AX_CARRY_LO + 16] * kvec  # [B,16]
    x_ge = x_ge.at[:, 0, GE_NIB_B].add(jnp.sum(jnp.mod(val, 16.0), axis=-1))
    x_ge = x_ge.at[:, 1, GE_NIB_B].add(jnp.sum(jnp.floor_divide(val, 16.0), axis=-1))
    # opcode flags copied to every position; min(72, 512-OP_START)=72, and 80+71<160 so all fit
    n_op = min(72, 512 - BD_OP_START)
    op_vals = x_bd[:, 0, BD_OP_START:BD_OP_START + n_op]  # [B, 72]
    x_ge = x_ge.at[:, :, GE_OP_START:GE_OP_START + n_op].set(
        jnp.broadcast_to(op_vals[:, None, :], (Bsz, N_POS, n_op))
    )
    return x_ge


def _ge_to_bd(x_ge, x_bd_orig):
    Bsz = x_ge.shape[0]
    result_lo = jnp.clip(jnp.round(x_ge[:, 0, GE_RESULT]), 0, 15).astype(jnp.int32)
    result_hi = jnp.clip(jnp.round(x_ge[:, 1, GE_RESULT]), 0, 15).astype(jnp.int32)
    b_idx = jnp.arange(Bsz)
    x_bd = x_bd_orig.at[b_idx, 0, BD_OUTPUT_LO + result_lo].set(2.0)
    x_bd = x_bd.at[b_idx, 0, BD_OUTPUT_HI + result_hi].set(2.0)
    return x_bd


def reference(x_bd):
    x_ge = _bd_to_ge(x_bd)
    return _ge_to_bd(x_ge, x_bd)

if __name__ == "__main__":
    import jax
    _d = setup_inputs()
    print(jax.jit(kernel)(*tuple(_d.values())))

</pallas_src>

<mosaic_0001>
#map = affine_map<(d0, d1) -> (0, 0, 0)>
module attributes {stable_mosaic.version = 14 : i64} {
  func.func @_sc_body(%arg0: i32, %arg1: i32, %arg2: memref<8192x8x128xf32, #tpu.memory_space<hbm>>, %arg3: memref<8192x8x128xf32, #tpu.memory_space<hbm>>, %arg4: memref<32x8x128xf32, #tpu.memory_space<vmem>>, %arg5: memref<32x8x128xf32, #tpu.memory_space<vmem>>, %arg6: memref<32x8x128xf32, #tpu.memory_space<vmem>>, %arg7: memref<!tpu.dma_semaphore, #tpu.memory_space<semaphore_mem>>, %arg8: memref<!tpu.dma_semaphore, #tpu.memory_space<semaphore_mem>>, %arg9: memref<!tpu.dma_semaphore, #tpu.memory_space<semaphore_mem>>, %arg10: memref<!tpu.dma_semaphore, #tpu.memory_space<semaphore_mem>>, %arg11: memref<!tpu.dma_semaphore, #tpu.memory_space<semaphore_mem>>, %arg12: memref<!tpu.dma_semaphore, #tpu.memory_space<semaphore_mem>>) attributes {dimension_semantics = [#tpu.dimension_semantics<core_parallel>, #tpu.dimension_semantics<subcore_parallel>], iteration_bounds = array<i64: 2, 16>, scalar_prefetch = 0 : i64, scratch_operands = 9 : i64, tpu.core_type = #tpu.core_type<sc_vector_subcore>, window_params = [{transform_indices = #map}, {transform_indices = #map}]} {
    %mul3A = arith.constant 2 : i32
    %mul3A_0 = arith.muli %arg1, %mul3A : i32
    %add3A = arith.addi %mul3A_0, %arg0 : i32
    %mul3A_1 = arith.constant 256 : i32
    %mul3A_2 = arith.muli %add3A, %mul3A_1 : i32
    %iota3A = tpu.iota {dimensions = array<i32: 0>} : vector<16xi32>
    %broadcast_in_dim3A = arith.constant 2.000000e+00 : f32
    %broadcast_in_dim3A_3 = vector.broadcast %broadcast_in_dim3A : f32 to vector<16xf32>
    %add3A_4 = arith.constant 0 : i32
    %add3A_5 = arith.addi %mul3A_2, %add3A_4 : i32
    %dma_start3A = arith.constant 0 : i32
    %dma_start3A_6 = arith.constant 0 : i32
    %dma_start3A_7 = tpu.memref_slice %arg2[%add3A_5, %dma_start3A, %dma_start3A_6] : memref<8192x8x128xf32, #tpu.memory_space<hbm>> -> memref<32x8x128xf32, #tpu.memory_space<hbm>>
    %dma_start3A_8 = arith.constant 0 : i32
    %dma_start3A_9 = arith.constant 0 : i32
    %dma_start3A_10 = tpu.memref_slice %arg2[%add3A_5, %dma_start3A_8, %dma_start3A_9] : memref<8192x8x128xf32, #tpu.memory_space<hbm>> -> memref<32x8x128xf32, #tpu.memory_space<hbm>>
    tpu.enqueue_dma source(%dma_start3A_10 : memref<32x8x128xf32, #tpu.memory_space<hbm>>) target(%arg4 : memref<32x8x128xf32, #tpu.memory_space<vmem>>) target_semaphore(%arg7 : memref<!tpu.dma_semaphore, #tpu.memory_space<semaphore_mem>>)
    %add3A_11 = arith.constant 32 : i32
    %add3A_12 = arith.addi %mul3A_2, %add3A_11 : i32
    %dma_start3A_13 = arith.constant 0 : i32
    %dma_start3A_14 = arith.constant 0 : i32
    %dma_start3A_15 = tpu.memref_slice %arg2[%add3A_12, %dma_start3A_13, %dma_start3A_14] : memref<8192x8x128xf32, #tpu.memory_space<hbm>> -> memref<32x8x128xf32, #tpu.memory_space<hbm>>
    %dma_start3A_16 = arith.constant 0 : i32
    %dma_start3A_17 = arith.constant 0 : i32
    %dma_start3A_18 = tpu.memref_slice %arg2[%add3A_12, %dma_start3A_16, %dma_start3A_17] : memref<8192x8x128xf32, #tpu.memory_space<hbm>> -> memref<32x8x128xf32, #tpu.memory_space<hbm>>
    tpu.enqueue_dma source(%dma_start3A_18 : memref<32x8x128xf32, #tpu.memory_space<hbm>>) target(%arg5 : memref<32x8x128xf32, #tpu.memory_space<vmem>>) target_semaphore(%arg8 : memref<!tpu.dma_semaphore, #tpu.memory_space<semaphore_mem>>)
    %add3A_19 = arith.constant 64 : i32
    %add3A_20 = arith.addi %mul3A_2, %add3A_19 : i32
    %dma_start3A_21 = arith.constant 0 : i32
    %dma_start3A_22 = arith.constant 0 : i32
    %dma_start3A_23 = tpu.memref_slice %arg2[%add3A_20, %dma_start3A_21, %dma_start3A_22] : memref<8192x8x128xf32, #tpu.memory_space<hbm>> -> memref<32x8x128xf32, #tpu.memory_space<hbm>>
    %dma_start3A_24 = arith.constant 0 : i32
    %dma_start3A_25 = arith.constant 0 : i32
    %dma_start3A_26 = tpu.memref_slice %arg2[%add3A_20, %dma_start3A_24, %dma_start3A_25] : memref<8192x8x128xf32, #tpu.memory_space<hbm>> -> memref<32x8x128xf32, #tpu.memory_space<hbm>>
    tpu.enqueue_dma source(%dma_start3A_26 : memref<32x8x128xf32, #tpu.memory_space<hbm>>) target(%arg6 : memref<32x8x128xf32, #tpu.memory_space<vmem>>) target_semaphore(%arg9 : memref<!tpu.dma_semaphore, #tpu.memory_space<semaphore_mem>>)
    %dma_wait3A = arith.constant 0 : i32
    %dma_wait3A_27 = arith.constant 0 : i32
    %dma_wait3A_28 = tpu.memref_slice %arg2[%add3A_5, %dma_wait3A, %dma_wait3A_27] : memref<8192x8x128xf32, #tpu.memory_space<hbm>> -> memref<32x8x128xf32, #tpu.memory_space<hbm>>
    %dma_wait3A_29 = arith.constant 0 : i32
    %dma_wait3A_30 = arith.constant 0 : i32
    %dma_wait3A_31 = tpu.memref_slice %arg2[%add3A_5, %dma_wait3A_29, %dma_wait3A_30] : memref<8192x8x128xf32, #tpu.memory_space<hbm>> -> memref<32x8x128xf32, #tpu.memory_space<hbm>>
    tpu.wait_dma2 semaphore(%arg7 : memref<!tpu.dma_semaphore, #tpu.memory_space<semaphore_mem>>) src(%dma_wait3A_31 : memref<32x8x128xf32, #tpu.memory_space<hbm>>) dst(%arg4 : memref<32x8x128xf32, #tpu.memory_space<vmem>>)
    %add3A_32 = arith.constant 0 : i32
    %add3A_33 = vector.broadcast %add3A_32 : i32 to vector<16xi32>
    %add3A_34 = arith.addi %iota3A, %add3A_33 : vector<16xi32>
    %broadcast_in_dim3A_35 = arith.constant 0 : i32
    %broadcast_in_dim3A_36 = vector.broadcast %broadcast_in_dim3A_35 : i32 to vector<16xi32>
    %broadcast_in_dim3A_37 = arith.constant 120 : i32
    %broadcast_in_dim3A_38 = vector.broadcast %broadcast_in_dim3A_37 : i32 to vector<16xi32>
    tpu.vector_store_idx %arg4[%add3A_34, %broadcast_in_dim3A_36, %broadcast_in_dim3A_38], %broadcast_in_dim3A_3 : memref<32x8x128xf32, #tpu.memory_space<vmem>>[vector<16xi32>, vector<16xi32>, vector<16xi32>], vector<16xf32>,
    %broadcast_in_dim3A_39 = arith.constant 4 : i32
    %broadcast_in_dim3A_40 = vector.broadcast %broadcast_in_dim3A_39 : i32 to vector<16xi32>
    %broadcast_in_dim3A_41 = arith.constant 120 : i32
    %broadcast_in_dim3A_42 = vector.broadcast %broadcast_in_dim3A_41 : i32 to vector<16xi32>
    tpu.vector_store_idx %arg4[%add3A_34, %broadcast_in_dim3A_40, %broadcast_in_dim3A_42], %broadcast_in_dim3A_3 : memref<32x8x128xf32, #tpu.memory_space<vmem>>[vector<16xi32>, vector<16xi32>, vector<16xi32>], vector<16xf32>,
    %broadcast_in_dim3A_43 = arith.constant 1 : i32
    %broadcast_in_dim3A_44 = vector.broadcast %broadcast_in_dim3A_43 : i32 to vector<16xi32>
    %broadcast_in_dim3A_45 = arith.constant 8 : i32
    %broadcast_in_dim3A_46 = vector.broadcast %broadcast_in_dim3A_45 : i32 to vector<16xi32>
    tpu.vector_store_idx %arg4[%add3A_34, %broadcast_in_dim3A_44, %broadcast_in_dim3A_46], %broadcast_in_dim3A_3 : memref<32x8x128xf32, #tpu.memory_space<vmem>>[vector<16xi32>, vector<16xi32>, vector<16xi32>], vector<16xf32>,
    %broadcast_in_dim3A_47 = arith.constant 5 : i32
    %broadcast_in_dim3A_48 = vector.broadcast %broadcast_in_dim3A_47 : i32 to vector<16xi32>
    %broadcast_in_dim3A_49 = arith.constant 8 : i32
    %broadcast_in_dim3A_50 = vector.broadcast %broadcast_in_dim3A_49 : i32 to vector<16xi32>
    tpu.vector_store_idx %arg4[%add3A_34, %broadcast_in_dim3A_48, %broadcast_in_dim3A_50], %broadcast_in_dim3A_3 : memref<32x8x128xf32, #tpu.memory_space<vmem>>[vector<16xi32>, vector<16xi32>, vector<16xi32>], vector<16xf32>,
    %add3A_51 = arith.constant 16 : i32
    %add3A_52 = vector.broadcast %add3A_51 : i32 to vector<16xi32>
    %add3A_53 = arith.addi %iota3A, %add3A_52 : vector<16xi32>
    %broadcast_in_dim3A_54 = arith.constant 0 : i32
    %broadcast_in_dim3A_55 = vector.broadcast %broadcast_in_dim3A_54 : i32 to vector<16xi32>
    %broadcast_in_dim3A_56 = arith.constant 120 : i32
    %broadcast_in_dim3A_57 = vector.broadcast %broadcast_in_dim3A_56 : i32 to vector<16xi32>
    tpu.vector_store_idx %arg4[%add3A_53, %broadcast_in_dim3A_55, %broadcast_in_dim3A_57], %broadcast_in_dim3A_3 : memref<32x8x128xf32, #tpu.memory_space<vmem>>[vector<16xi32>, vector<16xi32>, vector<16xi32>], vector<16xf32>,
    %broadcast_in_dim3A_58 = arith.constant 4 : i32
    %broadcast_in_dim3A_59 = vector.broadcast %broadcast_in_dim3A_58 : i32 to vector<16xi32>
    %broadcast_in_dim3A_60 = arith.constant 120 : i32
    %broadcast_in_dim3A_61 = vector.broadcast %broadcast_in_dim3A_60 : i32 to vector<16xi32>
    tpu.vector_store_idx %arg4[%add3A_53, %broadcast_in_dim3A_59, %broadcast_in_dim3A_61], %broadcast_in_dim3A_3 : memref<32x8x128xf32, #tpu.memory_space<vmem>>[vector<16xi32>, vector<16xi32>, vector<16xi32>], vector<16xf32>,
    %broadcast_in_dim3A_62 = arith.constant 1 : i32
    %broadcast_in_dim3A_63 = vector.broadcast %broadcast_in_dim3A_62 : i32 to vector<16xi32>
    %broadcast_in_dim3A_64 = arith.constant 8 : i32
    %broadcast_in_dim3A_65 = vector.broadcast %broadcast_in_dim3A_64 : i32 to vector<16xi32>
    tpu.vector_store_idx %arg4[%add3A_53, %broadcast_in_dim3A_63, %broadcast_in_dim3A_65], %broadcast_in_dim3A_3 : memref<32x8x128xf32, #tpu.memory_space<vmem>>[vector<16xi32>, vector<16xi32>, vector<16xi32>], vector<16xf32>,
    %broadcast_in_dim3A_66 = arith.constant 5 : i32
    %broadcast_in_dim3A_67 = vector.broadcast %broadcast_in_dim3A_66 : i32 to vector<16xi32>
    %broadcast_in_dim3A_68 = arith.constant 8 : i32
    %broadcast_in_dim3A_69 = vector.broadcast %broadcast_in_dim3A_68 : i32 to vector<16xi32>
    tpu.vector_store_idx %arg4[%add3A_53, %broadcast_in_dim3A_67, %broadcast_in_dim3A_69], %broadcast_in_dim3A_3 : memref<32x8x128xf32, #tpu.memory_space<vmem>>[vector<16xi32>, vector<16xi32>, vector<16xi32>], vector<16xf32>,
    %add3A_70 = arith.constant 0 : i32
    %add3A_71 = arith.addi %mul3A_2, %add3A_70 : i32
    %dma_start3A_72 = arith.constant 0 : i32
    %dma_start3A_73 = arith.constant 0 : i32
    %dma_start3A_74 = tpu.memref_slice %arg3[%add3A_71, %dma_start3A_72, %dma_start3A_73] : memref<8192x8x128xf32, #tpu.memory_space<hbm>> -> memref<32x8x128xf32, #tpu.memory_space<hbm>>
    %dma_start3A_75 = arith.constant 0 : i32
    %dma_start3A_76 = arith.constant 0 : i32
    %dma_start3A_77 = tpu.memref_slice %arg3[%add3A_71, %dma_start3A_75, %dma_start3A_76] : memref<8192x8x128xf32, #tpu.memory_space<hbm>> -> memref<32x8x128xf32, #tpu.memory_space<hbm>>
    tpu.enqueue_dma source(%arg4 : memref<32x8x128xf32, #tpu.memory_space<vmem>>) target(%dma_start3A_77 : memref<32x8x128xf32, #tpu.memory_space<hbm>>) target_semaphore(%arg10 : memref<!tpu.dma_semaphore, #tpu.memory_space<semaphore_mem>>)
    %dma_wait3A_78 = arith.constant 0 : i32
    %dma_wait3A_79 = arith.constant 0 : i32
    %dma_wait3A_80 = tpu.memref_slice %arg3[%add3A_71, %dma_wait3A_78, %dma_wait3A_79] : memref<8192x8x128xf32, #tpu.memory_space<hbm>> -> memref<32x8x128xf32, #tpu.memory_space<hbm>>
    %dma_wait3A_81 = arith.constant 0 : i32
    %dma_wait3A_82 = arith.constant 0 : i32
    %dma_wait3A_83 = tpu.memref_slice %arg3[%add3A_71, %dma_wait3A_81, %dma_wait3A_82] : memref<8192x8x128xf32, #tpu.memory_space<hbm>> -> memref<32x8x128xf32, #tpu.memory_space<hbm>>
    tpu.wait_dma2 semaphore(%arg10 : memref<!tpu.dma_semaphore, #tpu.memory_space<semaphore_mem>>) src(%arg4 : memref<32x8x128xf32, #tpu.memory_space<vmem>>) dst(%dma_wait3A_83 : memref<32x8x128xf32, #tpu.memory_space<hbm>>)
    %add3A_84 = arith.constant 96 : i32
    %add3A_85 = arith.addi %mul3A_2, %add3A_84 : i32
    %dma_start3A_86 = arith.constant 0 : i32
    %dma_start3A_87 = arith.constant 0 : i32
    %dma_start3A_88 = tpu.memref_slice %arg2[%add3A_85, %dma_start3A_86, %dma_start3A_87] : memref<8192x8x128xf32, #tpu.memory_space<hbm>> -> memref<32x8x128xf32, #tpu.memory_space<hbm>>
    %dma_start3A_89 = arith.constant 0 : i32
    %dma_start3A_90 = arith.constant 0 : i32
    %dma_start3A_91 = tpu.memref_slice %arg2[%add3A_85, %dma_start3A_89, %dma_start3A_90] : memref<8192x8x128xf32, #tpu.memory_space<hbm>> -> memref<32x8x128xf32, #tpu.memory_space<hbm>>
    tpu.enqueue_dma source(%dma_start3A_91 : memref<32x8x128xf32, #tpu.memory_space<hbm>>) target(%arg4 : memref<32x8x128xf32, #tpu.memory_space<vmem>>) target_semaphore(%arg7 : memref<!tpu.dma_semaphore, #tpu.memory_space<semaphore_mem>>)
    %dma_wait3A_92 = arith.constant 0 : i32
    %dma_wait3A_93 = arith.constant 0 : i32
    %dma_wait3A_94 = tpu.memref_slice %arg2[%add3A_12, %dma_wait3A_92, %dma_wait3A_93] : memref<8192x8x128xf32, #tpu.memory_space<hbm>> -> memref<32x8x128xf32, #tpu.memory_space<hbm>>
    %dma_wait3A_95 = arith.constant 0 : i32
    %dma_wait3A_96 = arith.constant 0 : i32
    %dma_wait3A_97 = tpu.memref_slice %arg2[%add3A_12, %dma_wait3A_95, %dma_wait3A_96] : memref<8192x8x128xf32, #tpu.memory_space<hbm>> -> memref<32x8x128xf32, #tpu.memory_space<hbm>>
    tpu.wait_dma2 semaphore(%arg8 : memref<!tpu.dma_semaphore, #tpu.memory_space<semaphore_mem>>) src(%dma_wait3A_97 : memref<32x8x128xf32, #tpu.memory_space<hbm>>) dst(%arg5 : memref<32x8x128xf32, #tpu.memory_space<vmem>>)
    %add3A_98 = arith.constant 0 : i32
    %add3A_99 = vector.broadcast %add3A_98 : i32 to vector<16xi32>
    %add3A_100 = arith.addi %iota3A, %add3A_99 : vector<16xi32>
    %broadcast_in_dim3A_101 = arith.constant 0 : i32
    %broadcast_in_dim3A_102 = vector.broadcast %broadcast_in_dim3A_101 : i32 to vector<16xi32>
    %broadcast_in_dim3A_103 = arith.constant 120 : i32
    %broadcast_in_dim3A_104 = vector.broadcast %broadcast_in_dim3A_103 : i32 to vector<16xi32>
    tpu.vector_store_idx %arg5[%add3A_100, %broadcast_in_dim3A_102, %broadcast_in_dim3A_104], %broadcast_in_dim3A_3 : memref<32x8x128xf32, #tpu.memory_space<vmem>>[vector<16xi32>, vector<16xi32>, vector<16xi32>], vector<16xf32>,
    %broadcast_in_dim3A_105 = arith.constant 4 : i32
    %broadcast_in_dim3A_106 = vector.broadcast %broadcast_in_dim3A_105 : i32 to vector<16xi32>
    %broadcast_in_dim3A_107 = arith.constant 120 : i32
    %broadcast_in_dim3A_108 = vector.broadcast %broadcast_in_dim3A_107 : i32 to vector<16xi32>
    tpu.vector_store_idx %arg5[%add3A_100, %broadcast_in_dim3A_106, %broadcast_in_dim3A_108], %broadcast_in_dim3A_3 : memref<32x8x128xf32, #tpu.memory_space<vmem>>[vector<16xi32>, vector<16xi32>, vector<16xi32>], vector<16xf32>,
    %broadcast_in_dim3A_109 = arith.constant 1 : i32
    %broadcast_in_dim3A_110 = vector.broadcast %broadcast_in_dim3A_109 : i32 to vector<16xi32>
    %broadcast_in_dim3A_111 = arith.constant 8 : i32
    %broadcast_in_dim3A_112 = vector.broadcast %broadcast_in_dim3A_111 : i32 to vector<16xi32>
    tpu.vector_store_idx %arg5[%add3A_100, %broadcast_in_dim3A_110, %broadcast_in_dim3A_112], %broadcast_in_dim3A_3 : memref<32x8x128xf32, #tpu.memory_space<vmem>>[vector<16xi32>, vector<16xi32>, vector<16xi32>], vector<16xf32>,
    %broadcast_in_dim3A_113 = arith.constant 5 : i32
    %broadcast_in_dim3A_114 = vector.broadcast %broadcast_in_dim3A_113 : i32 to vector<16xi32>
    %broadcast_in_dim3A_115 = arith.constant 8 : i32
    %broadcast_in_dim3A_116 = vector.broadcast %broadcast_in_dim3A_115 : i32 to vector<16xi32>
    tpu.vector_store_idx %arg5[%add3A_100, %broadcast_in_dim3A_114, %broadcast_in_dim3A_116], %broadcast_in_dim3A_3 : memref<32x8x128xf32, #tpu.memory_space<vmem>>[vector<16xi32>, vector<16xi32>, vector<16xi32>], vector<16xf32>,
    %add3A_117 = arith.constant 16 : i32
    %add3A_118 = vector.broadcast %add3A_117 : i32 to vector<16xi32>
    %add3A_119 = arith.addi %iota3A, %add3A_118 : vector<16xi32>
    %broadcast_in_dim3A_120 = arith.constant 0 : i32
    %broadcast_in_dim3A_121 = vector.broadcast %broadcast_in_dim3A_120 : i32 to vector<16xi32>
    %broadcast_in_dim3A_122 = arith.constant 120 : i32
    %broadcast_in_dim3A_123 = vector.broadcast %broadcast_in_dim3A_122 : i32 to vector<16xi32>
    tpu.vector_store_idx %arg5[%add3A_119, %broadcast_in_dim3A_121, %broadcast_in_dim3A_123], %broadcast_in_dim3A_3 : memref<32x8x128xf32, #tpu.memory_space<vmem>>[vector<16xi32>, vector<16xi32>, vector<16xi32>], vector<16xf32>,
    %broadcast_in_dim3A_124 = arith.constant 4 : i32
    %broadcast_in_dim3A_125 = vector.broadcast %broadcast_in_dim3A_124 : i32 to vector<16xi32>
    %broadcast_in_dim3A_126 = arith.constant 120 : i32
    %broadcast_in_dim3A_127 = vector.broadcast %broadcast_in_dim3A_126 : i32 to vector<16xi32>
    tpu.vector_store_idx %arg5[%add3A_119, %broadcast_in_dim3A_125, %broadcast_in_dim3A_127], %broadcast_in_dim3A_3 : memref<32x8x128xf32, #tpu.memory_space<vmem>>[vector<16xi32>, vector<16xi32>, vector<16xi32>], vector<16xf32>,
    %broadcast_in_dim3A_128 = arith.constant 1 : i32
    %broadcast_in_dim3A_129 = vector.broadcast %broadcast_in_dim3A_128 : i32 to vector<16xi32>
    %broadcast_in_dim3A_130 = arith.constant 8 : i32
    %broadcast_in_dim3A_131 = vector.broadcast %broadcast_in_dim3A_130 : i32 to vector<16xi32>
    tpu.vector_store_idx %arg5[%add3A_119, %broadcast_in_dim3A_129, %broadcast_in_dim3A_131], %broadcast_in_dim3A_3 : memref<32x8x128xf32, #tpu.memory_space<vmem>>[vector<16xi32>, vector<16xi32>, vector<16xi32>], vector<16xf32>,
    %broadcast_in_dim3A_132 = arith.constant 5 : i32
    %broadcast_in_dim3A_133 = vector.broadcast %broadcast_in_dim3A_132 : i32 to vector<16xi32>
    %broadcast_in_dim3A_134 = arith.constant 8 : i32
    %broadcast_in_dim3A_135 = vector.broadcast %broadcast_in_dim3A_134 : i32 to vector<16xi32>
    tpu.vector_store_idx %arg5[%add3A_119, %broadcast_in_dim3A_133, %broadcast_in_dim3A_135], %broadcast_in_dim3A_3 : memref<32x8x128xf32, #tpu.memory_space<vmem>>[vector<16xi32>, vector<16xi32>, vector<16xi32>], vector<16xf32>,
    %add3A_136 = arith.constant 32 : i32
    %add3A_137 = arith.addi %mul3A_2, %add3A_136 : i32
    %dma_start3A_138 = arith.constant 0 : i32
    %dma_start3A_139 = arith.constant 0 : i32
    %dma_start3A_140 = tpu.memref_slice %arg3[%add3A_137, %dma_start3A_138, %dma_start3A_139] : memref<8192x8x128xf32, #tpu.memory_space<hbm>> -> memref<32x8x128xf32, #tpu.memory_space<hbm>>
    %dma_start3A_141 = arith.constant 0 : i32
    %dma_start3A_142 = arith.constant 0 : i32
    %dma_start3A_143 = tpu.memref_slice %arg3[%add3A_137, %dma_start3A_141, %dma_start3A_142] : memref<8192x8x128xf32, #tpu.memory_space<hbm>> -> memref<32x8x128xf32, #tpu.memory_space<hbm>>
    tpu.enqueue_dma source(%arg5 : memref<32x8x128xf32, #tpu.memory_space<vmem>>) target(%dma_start3A_143 : memref<32x8x128xf32, #tpu.memory_space<hbm>>) target_semaphore(%arg11 : memref<!tpu.dma_semaphore, #tpu.memory_space<semaphore_mem>>)
    %dma_wait3A_144 = arith.constant 0 : i32
    %dma_wait3A_145 = arith.constant 0 : i32
    %dma_wait3A_146 = tpu.memref_slice %arg3[%add3A_137, %dma_wait3A_144, %dma_wait3A_145] : memref<8192x8x128xf32, #tpu.memory_space<hbm>> -> memref<32x8x128xf32, #tpu.memory_space<hbm>>
    %dma_wait3A_147 = arith.constant 0 : i32
    %dma_wait3A_148 = arith.constant 0 : i32
    %dma_wait3A_149 = tpu.memref_slice %arg3[%add3A_137, %dma_wait3A_147, %dma_wait3A_148] : memref<8192x8x128xf32, #tpu.memory_space<hbm>> -> memref<32x8x128xf32, #tpu.memory_space<hbm>>
    tpu.wait_dma2 semaphore(%arg11 : memref<!tpu.dma_semaphore, #tpu.memory_space<semaphore_mem>>) src(%arg5 : memref<32x8x128xf32, #tpu.memory_space<vmem>>) dst(%dma_wait3A_149 : memref<32x8x128xf32, #tpu.memory_space<hbm>>)
    %add3A_150 = arith.constant 128 : i32
    %add3A_151 = arith.addi %mul3A_2, %add3A_150 : i32
    %dma_start3A_152 = arith.constant 0 : i32
    %dma_start3A_153 = arith.constant 0 : i32
    %dma_start3A_154 = tpu.memref_slice %arg2[%add3A_151, %dma_start3A_152, %dma_start3A_153] : memref<8192x8x128xf32, #tpu.memory_space<hbm>> -> memref<32x8x128xf32, #tpu.memory_space<hbm>>
    %dma_start3A_155 = arith.constant 0 : i32
    %dma_start3A_156 = arith.constant 0 : i32
    %dma_start3A_157 = tpu.memref_slice %arg2[%add3A_151, %dma_start3A_155, %dma_start3A_156] : memref<8192x8x128xf32, #tpu.memory_space<hbm>> -> memref<32x8x128xf32, #tpu.memory_space<hbm>>
    tpu.enqueue_dma source(%dma_start3A_157 : memref<32x8x128xf32, #tpu.memory_space<hbm>>) target(%arg5 : memref<32x8x128xf32, #tpu.memory_space<vmem>>) target_semaphore(%arg8 : memref<!tpu.dma_semaphore, #tpu.memory_space<semaphore_mem>>)
    %dma_wait3A_158 = arith.constant 0 : i32
    %dma_wait3A_159 = arith.constant 0 : i32
    %dma_wait3A_160 = tpu.memref_slice %arg2[%add3A_20, %dma_wait3A_158, %dma_wait3A_159] : memref<8192x8x128xf32, #tpu.memory_space<hbm>> -> memref<32x8x128xf32, #tpu.memory_space<hbm>>
    %dma_wait3A_161 = arith.constant 0 : i32
    %dma_wait3A_162 = arith.constant 0 : i32
    %dma_wait3A_163 = tpu.memref_slice %arg2[%add3A_20, %dma_wait3A_161, %dma_wait3A_162] : memref<8192x8x128xf32, #tpu.memory_space<hbm>> -> memref<32x8x128xf32, #tpu.memory_space<hbm>>
    tpu.wait_dma2 semaphore(%arg9 : memref<!tpu.dma_semaphore, #tpu.memory_space<semaphore_mem>>) src(%dma_wait3A_163 : memref<32x8x128xf32, #tpu.memory_space<hbm>>) dst(%arg6 : memref<32x8x128xf32, #tpu.memory_space<vmem>>)
    %add3A_164 = arith.constant 0 : i32
    %add3A_165 = vector.broadcast %add3A_164 : i32 to vector<16xi32>
    %add3A_166 = arith.addi %iota3A, %add3A_165 : vector<16xi32>
    %broadcast_in_dim3A_167 = arith.constant 0 : i32
    %broadcast_in_dim3A_168 = vector.broadcast %broadcast_in_dim3A_167 : i32 to vector<16xi32>
    %broadcast_in_dim3A_169 = arith.constant 120 : i32
    %broadcast_in_dim3A_170 = vector.broadcast %broadcast_in_dim3A_169 : i32 to vector<16xi32>
    tpu.vector_store_idx %arg6[%add3A_166, %broadcast_in_dim3A_168, %broadcast_in_dim3A_170], %broadcast_in_dim3A_3 : memref<32x8x128xf32, #tpu.memory_space<vmem>>[vector<16xi32>, vector<16xi32>, vector<16xi32>], vector<16xf32>,
    %broadcast_in_dim3A_171 = arith.constant 4 : i32
    %broadcast_in_dim3A_172 = vector.broadcast %broadcast_in_dim3A_171 : i32 to vector<16xi32>
    %broadcast_in_dim3A_173 = arith.constant 120 : i32
    %broadcast_in_dim3A_174 = vector.broadcast %broadcast_in_dim3A_173 : i32 to vector<16xi32>
    tpu.vector_store_idx %arg6[%add3A_166, %broadcast_in_dim3A_172, %broadcast_in_dim3A_174], %broadcast_in_dim3A_3 : memref<32x8x128xf32, #tpu.memory_space<vmem>>[vector<16xi32>, vector<16xi32>, vector<16xi32>], vector<16xf32>,
    %broadcast_in_dim3A_175 = arith.constant 1 : i32
    %broadcast_in_dim3A_176 = vector.broadcast %broadcast_in_dim3A_175 : i32 to vector<16xi32>
    %broadcast_in_dim3A_177 = arith.constant 8 : i32
    %broadcast_in_dim3A_178 = vector.broadcast %broadcast_in_dim3A_177 : i32 to vector<16xi32>
    tpu.vector_store_idx %arg6[%add3A_166, %broadcast_in_dim3A_176, %broadcast_in_dim3A_178], %broadcast_in_dim3A_3 : memref<32x8x128xf32, #tpu.memory_space<vmem>>[vector<16xi32>, vector<16xi32>, vector<16xi32>], vector<16xf32>,
    %broadcast_in_dim3A_179 = arith.constant 5 : i32
    %broadcast_in_dim3A_180 = vector.broadcast %broadcast_in_dim3A_179 : i32 to vector<16xi32>
    %broadcast_in_dim3A_181 = arith.constant 8 : i32
    %broadcast_in_dim3A_182 = vector.broadcast %broadcast_in_dim3A_181 : i32 to vector<16xi32>
    tpu.vector_store_idx %arg6[%add3A_166, %broadcast_in_dim3A_180, %broadcast_in_dim3A_182], %broadcast_in_dim3A_3 : memref<32x8x128xf32, #tpu.memory_space<vmem>>[vector<16xi32>, vector<16xi32>, vector<16xi32>], vector<16xf32>,
    %add3A_183 = arith.constant 16 : i32
    %add3A_184 = vector.broadcast %add3A_183 : i32 to vector<16xi32>
    %add3A_185 = arith.addi %iota3A, %add3A_184 : vector<16xi32>
    %broadcast_in_dim3A_186 = arith.constant 0 : i32
    %broadcast_in_dim3A_187 = vector.broadcast %broadcast_in_dim3A_186 : i32 to vector<16xi32>
    %broadcast_in_dim3A_188 = arith.constant 120 : i32
    %broadcast_in_dim3A_189 = vector.broadcast %broadcast_in_dim3A_188 : i32 to vector<16xi32>
    tpu.vector_store_idx %arg6[%add3A_185, %broadcast_in_dim3A_187, %broadcast_in_dim3A_189], %broadcast_in_dim3A_3 : memref<32x8x128xf32, #tpu.memory_space<vmem>>[vector<16xi32>, vector<16xi32>, vector<16xi32>], vector<16xf32>,
    %broadcast_in_dim3A_190 = arith.constant 4 : i32
    %broadcast_in_dim3A_191 = vector.broadcast %broadcast_in_dim3A_190 : i32 to vector<16xi32>
    %broadcast_in_dim3A_192 = arith.constant 120 : i32
    %broadcast_in_dim3A_193 = vector.broadcast %broadcast_in_dim3A_192 : i32 to vector<16xi32>
    tpu.vector_store_idx %arg6[%add3A_185, %broadcast_in_dim3A_191, %broadcast_in_dim3A_193], %broadcast_in_dim3A_3 : memref<32x8x128xf32, #tpu.memory_space<vmem>>[vector<16xi32>, vector<16xi32>, vector<16xi32>], vector<16xf32>,
    %broadcast_in_dim3A_194 = arith.constant 1 : i32
    %broadcast_in_dim3A_195 = vector.broadcast %broadcast_in_dim3A_194 : i32 to vector<16xi32>
    %broadcast_in_dim3A_196 = arith.constant 8 : i32
    %broadcast_in_dim3A_197 = vector.broadcast %broadcast_in_dim3A_196 : i32 to vector<16xi32>
    tpu.vector_store_idx %arg6[%add3A_185, %broadcast_in_dim3A_195, %broadcast_in_dim3A_197], %broadcast_in_dim3A_3 : memref<32x8x128xf32, #tpu.memory_space<vmem>>[vector<16xi32>, vector<16xi32>, vector<16xi32>], vector<16xf32>,
    %broadcast_in_dim3A_198 = arith.constant 5 : i32
    %broadcast_in_dim3A_199 = vector.broadcast %broadcast_in_dim3A_198 : i32 to vector<16xi32>
    %broadcast_in_dim3A_200 = arith.constant 8 : i32
    %broadcast_in_dim3A_201 = vector.broadcast %broadcast_in_dim3A_200 : i32 to vector<16xi32>
    tpu.vector_store_idx %arg6[%add3A_185, %broadcast_in_dim3A_199, %broadcast_in_dim3A_201], %broadcast_in_dim3A_3 : memref<32x8x128xf32, #tpu.memory_space<vmem>>[vector<16xi32>, vector<16xi32>, vector<16xi32>], vector<16xf32>,
    %add3A_202 = arith.constant 64 : i32
    %add3A_203 = arith.addi %mul3A_2, %add3A_202 : i32
    %dma_start3A_204 = arith.constant 0 : i32
    %dma_start3A_205 = arith.constant 0 : i32
    %dma_start3A_206 = tpu.memref_slice %arg3[%add3A_203, %dma_start3A_204, %dma_start3A_205] : memref<8192x8x128xf32, #tpu.memory_space<hbm>> -> memref<32x8x128xf32, #tpu.memory_space<hbm>>
    %dma_start3A_207 = arith.constant 0 : i32
    %dma_start3A_208 = arith.constant 0 : i32
    %dma_start3A_209 = tpu.memref_slice %arg3[%add3A_203, %dma_start3A_207, %dma_start3A_208] : memref<8192x8x128xf32, #tpu.memory_space<hbm>> -> memref<32x8x128xf32, #tpu.memory_space<hbm>>
    tpu.enqueue_dma source(%arg6 : memref<32x8x128xf32, #tpu.memory_space<vmem>>) target(%dma_start3A_209 : memref<32x8x128xf32, #tpu.memory_space<hbm>>) target_semaphore(%arg12 : memref<!tpu.dma_semaphore, #tpu.memory_space<semaphore_mem>>)
    %dma_wait3A_210 = arith.constant 0 : i32
    %dma_wait3A_211 = arith.constant 0 : i32
    %dma_wait3A_212 = tpu.memref_slice %arg3[%add3A_203, %dma_wait3A_210, %dma_wait3A_211] : memref<8192x8x128xf32, #tpu.memory_space<hbm>> -> memref<32x8x128xf32, #tpu.memory_space<hbm>>
    %dma_wait3A_213 = arith.constant 0 : i32
    %dma_wait3A_214 = arith.constant 0 : i32
    %dma_wait3A_215 = tpu.memref_slice %arg3[%add3A_203, %dma_wait3A_213, %dma_wait3A_214] : memref<8192x8x128xf32, #tpu.memory_space<hbm>> -> memref<32x8x128xf32, #tpu.memory_space<hbm>>
    tpu.wait_dma2 semaphore(%arg12 : memref<!tpu.dma_semaphore, #tpu.memory_space<semaphore_mem>>) src(%arg6 : memref<32x8x128xf32, #tpu.memory_space<vmem>>) dst(%dma_wait3A_215 : memref<32x8x128xf32, #tpu.memory_space<hbm>>)
    %add3A_216 = arith.constant 160 : i32
    %add3A_217 = arith.addi %mul3A_2, %add3A_216 : i32
    %dma_start3A_218 = arith.constant 0 : i32
    %dma_start3A_219 = arith.constant 0 : i32
    %dma_start3A_220 = tpu.memref_slice %arg2[%add3A_217, %dma_start3A_218, %dma_start3A_219] : memref<8192x8x128xf32, #tpu.memory_space<hbm>> -> memref<32x8x128xf32, #tpu.memory_space<hbm>>
    %dma_start3A_221 = arith.constant 0 : i32
    %dma_start3A_222 = arith.constant 0 : i32
    %dma_start3A_223 = tpu.memref_slice %arg2[%add3A_217, %dma_start3A_221, %dma_start3A_222] : memref<8192x8x128xf32, #tpu.memory_space<hbm>> -> memref<32x8x128xf32, #tpu.memory_space<hbm>>
    tpu.enqueue_dma source(%dma_start3A_223 : memref<32x8x128xf32, #tpu.memory_space<hbm>>) target(%arg6 : memref<32x8x128xf32, #tpu.memory_space<vmem>>) target_semaphore(%arg9 : memref<!tpu.dma_semaphore, #tpu.memory_space<semaphore_mem>>)
    %dma_wait3A_224 = arith.constant 0 : i32
    %dma_wait3A_225 = arith.constant 0 : i32
    %dma_wait3A_226 = tpu.memref_slice %arg2[%add3A_85, %dma_wait3A_224, %dma_wait3A_225] : memref<8192x8x128xf32, #tpu.memory_space<hbm>> -> memref<32x8x128xf32, #tpu.memory_space<hbm>>
    %dma_wait3A_227 = arith.constant 0 : i32
    %dma_wait3A_228 = arith.constant 0 : i32
    %dma_wait3A_229 = tpu.memref_slice %arg2[%add3A_85, %dma_wait3A_227, %dma_wait3A_228] : memref<8192x8x128xf32, #tpu.memory_space<hbm>> -> memref<32x8x128xf32, #tpu.memory_space<hbm>>
    tpu.wait_dma2 semaphore(%arg7 : memref<!tpu.dma_semaphore, #tpu.memory_space<semaphore_mem>>) src(%dma_wait3A_229 : memref<32x8x128xf32, #tpu.memory_space<hbm>>) dst(%arg4 : memref<32x8x128xf32, #tpu.memory_space<vmem>>)
    %add3A_230 = arith.constant 0 : i32
    %add3A_231 = vector.broadcast %add3A_230 : i32 to vector<16xi32>
    %add3A_232 = arith.addi %iota3A, %add3A_231 : vector<16xi32>
    %broadcast_in_dim3A_233 = arith.constant 0 : i32
    %broadcast_in_dim3A_234 = vector.broadcast %broadcast_in_dim3A_233 : i32 to vector<16xi32>
    %broadcast_in_dim3A_235 = arith.constant 120 : i32
    %broadcast_in_dim3A_236 = vector.broadcast %broadcast_in_dim3A_235 : i32 to vector<16xi32>
    tpu.vector_store_idx %arg4[%add3A_232, %broadcast_in_dim3A_234, %broadcast_in_dim3A_236], %broadcast_in_dim3A_3 : memref<32x8x128xf32, #tpu.memory_space<vmem>>[vector<16xi32>, vector<16xi32>, vector<16xi32>], vector<16xf32>,
    %broadcast_in_dim3A_237 = arith.constant 4 : i32
    %broadcast_in_dim3A_238 = vector.broadcast %broadcast_in_dim3A_237 : i32 to vector<16xi32>
    %broadcast_in_dim3A_239 = arith.constant 120 : i32
    %broadcast_in_dim3A_240 = vector.broadcast %broadcast_in_dim3A_239 : i32 to vector<16xi32>
    tpu.vector_store_idx %arg4[%add3A_232, %broadcast_in_dim3A_238, %broadcast_in_dim3A_240], %broadcast_in_dim3A_3 : memref<32x8x128xf32, #tpu.memory_space<vmem>>[vector<16xi32>, vector<16xi32>, vector<16xi32>], vector<16xf32>,
    %broadcast_in_dim3A_241 = arith.constant 1 : i32
    %broadcast_in_dim3A_242 = vector.broadcast %broadcast_in_dim3A_241 : i32 to vector<16xi32>
    %broadcast_in_dim3A_243 = arith.constant 8 : i32
    %broadcast_in_dim3A_244 = vector.broadcast %broadcast_in_dim3A_243 : i32 to vector<16xi32>
    tpu.vector_store_idx %arg4[%add3A_232, %broadcast_in_dim3A_242, %broadcast_in_dim3A_244], %broadcast_in_dim3A_3 : memref<32x8x128xf32, #tpu.memory_space<vmem>>[vector<16xi32>, vector<16xi32>, vector<16xi32>], vector<16xf32>,
    %broadcast_in_dim3A_245 = arith.constant 5 : i32
    %broadcast_in_dim3A_246 = vector.broadcast %broadcast_in_dim3A_245 : i32 to vector<16xi32>
    %broadcast_in_dim3A_247 = arith.constant 8 : i32
    %broadcast_in_dim3A_248 = vector.broadcast %broadcast_in_dim3A_247 : i32 to vector<16xi32>
    tpu.vector_store_idx %arg4[%add3A_232, %broadcast_in_dim3A_246, %broadcast_in_dim3A_248], %broadcast_in_dim3A_3 : memref<32x8x128xf32, #tpu.memory_space<vmem>>[vector<16xi32>, vector<16xi32>, vector<16xi32>], vector<16xf32>,
    %add3A_249 = arith.constant 16 : i32
    %add3A_250 = vector.broadcast %add3A_249 : i32 to vector<16xi32>
    %add3A_251 = arith.addi %iota3A, %add3A_250 : vector<16xi32>
    %broadcast_in_dim3A_252 = arith.constant 0 : i32
    %broadcast_in_dim3A_253 = vector.broadcast %broadcast_in_dim3A_252 : i32 to vector<16xi32>
    %broadcast_in_dim3A_254 = arith.constant 120 : i32
    %broadcast_in_dim3A_255 = vector.broadcast %broadcast_in_dim3A_254 : i32 to vector<16xi32>
    tpu.vector_store_idx %arg4[%add3A_251, %broadcast_in_dim3A_253, %broadcast_in_dim3A_255], %broadcast_in_dim3A_3 : memref<32x8x128xf32, #tpu.memory_space<vmem>>[vector<16xi32>, vector<16xi32>, vector<16xi32>], vector<16xf32>,
    %broadcast_in_dim3A_256 = arith.constant 4 : i32
    %broadcast_in_dim3A_257 = vector.broadcast %broadcast_in_dim3A_256 : i32 to vector<16xi32>
    %broadcast_in_dim3A_258 = arith.constant 120 : i32
    %broadcast_in_dim3A_259 = vector.broadcast %broadcast_in_dim3A_258 : i32 to vector<16xi32>
    tpu.vector_store_idx %arg4[%add3A_251, %broadcast_in_dim3A_257, %broadcast_in_dim3A_259], %broadcast_in_dim3A_3 : memref<32x8x128xf32, #tpu.memory_space<vmem>>[vector<16xi32>, vector<16xi32>, vector<16xi32>], vector<16xf32>,
    %broadcast_in_dim3A_260 = arith.constant 1 : i32
    %broadcast_in_dim3A_261 = vector.broadcast %broadcast_in_dim3A_260 : i32 to vector<16xi32>
    %broadcast_in_dim3A_262 = arith.constant 8 : i32
    %broadcast_in_dim3A_263 = vector.broadcast %broadcast_in_dim3A_262 : i32 to vector<16xi32>
    tpu.vector_store_idx %arg4[%add3A_251, %broadcast_in_dim3A_261, %broadcast_in_dim3A_263], %broadcast_in_dim3A_3 : memref<32x8x128xf32, #tpu.memory_space<vmem>>[vector<16xi32>, vector<16xi32>, vector<16xi32>], vector<16xf32>,
    %broadcast_in_dim3A_264 = arith.constant 5 : i32
    %broadcast_in_dim3A_265 = vector.broadcast %broadcast_in_dim3A_264 : i32 to vector<16xi32>
    %broadcast_in_dim3A_266 = arith.constant 8 : i32
    %broadcast_in_dim3A_267 = vector.broadcast %broadcast_in_dim3A_266 : i32 to vector<16xi32>
    tpu.vector_store_idx %arg4[%add3A_251, %broadcast_in_dim3A_265, %broadcast_in_dim3A_267], %broadcast_in_dim3A_3 : memref<32x8x128xf32, #tpu.memory_space<vmem>>[vector<16xi32>, vector<16xi32>, vector<16xi32>], vector<16xf32>,
    %add3A_268 = arith.constant 96 : i32
    %add3A_269 = arith.addi %mul3A_2, %add3A_268 : i32
    %dma_start3A_270 = arith.constant 0 : i32
    %dma_start3A_271 = arith.constant 0 : i32
    %dma_start3A_272 = tpu.memref_slice %arg3[%add3A_269, %dma_start3A_270, %dma_start3A_271] : memref<8192x8x128xf32, #tpu.memory_space<hbm>> -> memref<32x8x128xf32, #tpu.memory_space<hbm>>
    %dma_start3A_273 = arith.constant 0 : i32
    %dma_start3A_274 = arith.constant 0 : i32
    %dma_start3A_275 = tpu.memref_slice %arg3[%add3A_269, %dma_start3A_273, %dma_start3A_274] : memref<8192x8x128xf32, #tpu.memory_space<hbm>> -> memref<32x8x128xf32, #tpu.memory_space<hbm>>
    tpu.enqueue_dma source(%arg4 : memref<32x8x128xf32, #tpu.memory_space<vmem>>) target(%dma_start3A_275 : memref<32x8x128xf32, #tpu.memory_space<hbm>>) target_semaphore(%arg10 : memref<!tpu.dma_semaphore, #tpu.memory_space<semaphore_mem>>)
    %dma_wait3A_276 = arith.constant 0 : i32
    %dma_wait3A_277 = arith.constant 0 : i32
    %dma_wait3A_278 = tpu.memref_slice %arg3[%add3A_269, %dma_wait3A_276, %dma_wait3A_277] : memref<8192x8x128xf32, #tpu.memory_space<hbm>> -> memref<32x8x128xf32, #tpu.memory_space<hbm>>
    %dma_wait3A_279 = arith.constant 0 : i32
    %dma_wait3A_280 = arith.constant 0 : i32
    %dma_wait3A_281 = tpu.memref_slice %arg3[%add3A_269, %dma_wait3A_279, %dma_wait3A_280] : memref<8192x8x128xf32, #tpu.memory_space<hbm>> -> memref<32x8x128xf32, #tpu.memory_space<hbm>>
    tpu.wait_dma2 semaphore(%arg10 : memref<!tpu.dma_semaphore, #tpu.memory_space<semaphore_mem>>) src(%arg4 : memref<32x8x128xf32, #tpu.memory_space<vmem>>) dst(%dma_wait3A_281 : memref<32x8x128xf32, #tpu.memory_space<hbm>>)
    %add3A_282 = arith.constant 192 : i32
    %add3A_283 = arith.addi %mul3A_2, %add3A_282 : i32
    %dma_start3A_284 = arith.constant 0 : i32
    %dma_start3A_285 = arith.constant 0 : i32
    %dma_start3A_286 = tpu.memref_slice %arg2[%add3A_283, %dma_start3A_284, %dma_start3A_285] : memref<8192x8x128xf32, #tpu.memory_space<hbm>> -> memref<32x8x128xf32, #tpu.memory_space<hbm>>
    %dma_start3A_287 = arith.constant 0 : i32
    %dma_start3A_288 = arith.constant 0 : i32
    %dma_start3A_289 = tpu.memref_slice %arg2[%add3A_283, %dma_start3A_287, %dma_start3A_288] : memref<8192x8x128xf32, #tpu.memory_space<hbm>> -> memref<32x8x128xf32, #tpu.memory_space<hbm>>
    tpu.enqueue_dma source(%dma_start3A_289 : memref<32x8x128xf32, #tpu.memory_space<hbm>>) target(%arg4 : memref<32x8x128xf32, #tpu.memory_space<vmem>>) target_semaphore(%arg7 : memref<!tpu.dma_semaphore, #tpu.memory_space<semaphore_mem>>)
    %dma_wait3A_290 = arith.constant 0 : i32
    %dma_wait3A_291 = arith.constant 0 : i32
    %dma_wait3A_292 = tpu.memref_slice %arg2[%add3A_151, %dma_wait3A_290, %dma_wait3A_291] : memref<8192x8x128xf32, #tpu.memory_space<hbm>> -> memref<32x8x128xf32, #tpu.memory_space<hbm>>
    %dma_wait3A_293 = arith.constant 0 : i32
    %dma_wait3A_294 = arith.constant 0 : i32
    %dma_wait3A_295 = tpu.memref_slice %arg2[%add3A_151, %dma_wait3A_293, %dma_wait3A_294] : memref<8192x8x128xf32, #tpu.memory_space<hbm>> -> memref<32x8x128xf32, #tpu.memory_space<hbm>>
    tpu.wait_dma2 semaphore(%arg8 : memref<!tpu.dma_semaphore, #tpu.memory_space<semaphore_mem>>) src(%dma_wait3A_295 : memref<32x8x128xf32, #tpu.memory_space<hbm>>) dst(%arg5 : memref<32x8x128xf32, #tpu.memory_space<vmem>>)
    %add3A_296 = arith.constant 0 : i32
    %add3A_297 = vector.broadcast %add3A_296 : i32 to vector<16xi32>
    %add3A_298 = arith.addi %iota3A, %add3A_297 : vector<16xi32>
    %broadcast_in_dim3A_299 = arith.constant 0 : i32
    %broadcast_in_dim3A_300 = vector.broadcast %broadcast_in_dim3A_299 : i32 to vector<16xi32>
    %broadcast_in_dim3A_301 = arith.constant 120 : i32
    %broadcast_in_dim3A_302 = vector.broadcast %broadcast_in_dim3A_301 : i32 to vector<16xi32>
    tpu.vector_store_idx %arg5[%add3A_298, %broadcast_in_dim3A_300, %broadcast_in_dim3A_302], %broadcast_in_dim3A_3 : memref<32x8x128xf32, #tpu.memory_space<vmem>>[vector<16xi32>, vector<16xi32>, vector<16xi32>], vector<16xf32>,
    %broadcast_in_dim3A_303 = arith.constant 4 : i32
    %broadcast_in_dim3A_304 = vector.broadcast %broadcast_in_dim3A_303 : i32 to vector<16xi32>
    %broadcast_in_dim3A_305 = arith.constant 120 : i32
    %broadcast_in_dim3A_306 = vector.broadcast %broadcast_in_dim3A_305 : i32 to vector<16xi32>
    tpu.vector_store_idx %arg5[%add3A_298, %broadcast_in_dim3A_304, %broadcast_in_dim3A_306], %broadcast_in_dim3A_3 : memref<32x8x128xf32, #tpu.memory_space<vmem>>[vector<16xi32>, vector<16xi32>, vector<16xi32>], vector<16xf32>,
    %broadcast_in_dim3A_307 = arith.constant 1 : i32
    %broadcast_in_dim3A_308 = vector.broadcast %broadcast_in_dim3A_307 : i32 to vector<16xi32>
    %broadcast_in_dim3A_309 = arith.constant 8 : i32
    %broadcast_in_dim3A_310 = vector.broadcast %broadcast_in_dim3A_309 : i32 to vector<16xi32>
    tpu.vector_store_idx %arg5[%add3A_298, %broadcast_in_dim3A_308, %broadcast_in_dim3A_310], %broadcast_in_dim3A_3 : memref<32x8x128xf32, #tpu.memory_space<vmem>>[vector<16xi32>, vector<16xi32>, vector<16xi32>], vector<16xf32>,
    %broadcast_in_dim3A_311 = arith.constant 5 : i32
    %broadcast_in_dim3A_312 = vector.broadcast %broadcast_in_dim3A_311 : i32 to vector<16xi32>
    %broadcast_in_dim3A_313 = arith.constant 8 : i32
    %broadcast_in_dim3A_314 = vector.broadcast %broadcast_in_dim3A_313 : i32 to vector<16xi32>
    tpu.vector_store_idx %arg5[%add3A_298, %broadcast_in_dim3A_312, %broadcast_in_dim3A_314], %broadcast_in_dim3A_3 : memref<32x8x128xf32, #tpu.memory_space<vmem>>[vector<16xi32>, vector<16xi32>, vector<16xi32>], vector<16xf32>,
    %add3A_315 = arith.constant 16 : i32
    %add3A_316 = vector.broadcast %add3A_315 : i32 to vector<16xi32>
    %add3A_317 = arith.addi %iota3A, %add3A_316 : vector<16xi32>
    %broadcast_in_dim3A_318 = arith.constant 0 : i32
    %broadcast_in_dim3A_319 = vector.broadcast %broadcast_in_dim3A_318 : i32 to vector<16xi32>
    %broadcast_in_dim3A_320 = arith.constant 120 : i32
    %broadcast_in_dim3A_321 = vector.broadcast %broadcast_in_dim3A_320 : i32 to vector<16xi32>
    tpu.vector_store_idx %arg5[%add3A_317, %broadcast_in_dim3A_319, %broadcast_in_dim3A_321], %broadcast_in_dim3A_3 : memref<32x8x128xf32, #tpu.memory_space<vmem>>[vector<16xi32>, vector<16xi32>, vector<16xi32>], vector<16xf32>,
    %broadcast_in_dim3A_322 = arith.constant 4 : i32
    %broadcast_in_dim3A_323 = vector.broadcast %broadcast_in_dim3A_322 : i32 to vector<16xi32>
    %broadcast_in_dim3A_324 = arith.constant 120 : i32
    %broadcast_in_dim3A_325 = vector.broadcast %broadcast_in_dim3A_324 : i32 to vector<16xi32>
    tpu.vector_store_idx %arg5[%add3A_317, %broadcast_in_dim3A_323, %broadcast_in_dim3A_325], %broadcast_in_dim3A_3 : memref<32x8x128xf32, #tpu.memory_space<vmem>>[vector<16xi32>, vector<16xi32>, vector<16xi32>], vector<16xf32>,
    %broadcast_in_dim3A_326 = arith.constant 1 : i32
    %broadcast_in_dim3A_327 = vector.broadcast %broadcast_in_dim3A_326 : i32 to vector<16xi32>
    %broadcast_in_dim3A_328 = arith.constant 8 : i32
    %broadcast_in_dim3A_329 = vector.broadcast %broadcast_in_dim3A_328 : i32 to vector<16xi32>
    tpu.vector_store_idx %arg5[%add3A_317, %broadcast_in_dim3A_327, %broadcast_in_dim3A_329], %broadcast_in_dim3A_3 : memref<32x8x128xf32, #tpu.memory_space<vmem>>[vector<16xi32>, vector<16xi32>, vector<16xi32>], vector<16xf32>,
    %broadcast_in_dim3A_330 = arith.constant 5 : i32
    %broadcast_in_dim3A_331 = vector.broadcast %broadcast_in_dim3A_330 : i32 to vector<16xi32>
    %broadcast_in_dim3A_332 = arith.constant 8 : i32
    %broadcast_in_dim3A_333 = vector.broadcast %broadcast_in_dim3A_332 : i32 to vector<16xi32>
    tpu.vector_store_idx %arg5[%add3A_317, %broadcast_in_dim3A_331, %broadcast_in_dim3A_333], %broadcast_in_dim3A_3 : memref<32x8x128xf32, #tpu.memory_space<vmem>>[vector<16xi32>, vector<16xi32>, vector<16xi32>], vector<16xf32>,
    %add3A_334 = arith.constant 128 : i32
    %add3A_335 = arith.addi %mul3A_2, %add3A_334 : i32
    %dma_start3A_336 = arith.constant 0 : i32
    %dma_start3A_337 = arith.constant 0 : i32
    %dma_start3A_338 = tpu.memref_slice %arg3[%add3A_335, %dma_start3A_336, %dma_start3A_337] : memref<8192x8x128xf32, #tpu.memory_space<hbm>> -> memref<32x8x128xf32, #tpu.memory_space<hbm>>
    %dma_start3A_339 = arith.constant 0 : i32
    %dma_start3A_340 = arith.constant 0 : i32
    %dma_start3A_341 = tpu.memref_slice %arg3[%add3A_335, %dma_start3A_339, %dma_start3A_340] : memref<8192x8x128xf32, #tpu.memory_space<hbm>> -> memref<32x8x128xf32, #tpu.memory_space<hbm>>
    tpu.enqueue_dma source(%arg5 : memref<32x8x128xf32, #tpu.memory_space<vmem>>) target(%dma_start3A_341 : memref<32x8x128xf32, #tpu.memory_space<hbm>>) target_semaphore(%arg11 : memref<!tpu.dma_semaphore, #tpu.memory_space<semaphore_mem>>)
    %dma_wait3A_342 = arith.constant 0 : i32
    %dma_wait3A_343 = arith.constant 0 : i32
    %dma_wait3A_344 = tpu.memref_slice %arg3[%add3A_335, %dma_wait3A_342, %dma_wait3A_343] : memref<8192x8x128xf32, #tpu.memory_space<hbm>> -> memref<32x8x128xf32, #tpu.memory_space<hbm>>
    %dma_wait3A_345 = arith.constant 0 : i32
    %dma_wait3A_346 = arith.constant 0 : i32
    %dma_wait3A_347 = tpu.memref_slice %arg3[%add3A_335, %dma_wait3A_345, %dma_wait3A_346] : memref<8192x8x128xf32, #tpu.memory_space<hbm>> -> memref<32x8x128xf32, #tpu.memory_space<hbm>>
    tpu.wait_dma2 semaphore(%arg11 : memref<!tpu.dma_semaphore, #tpu.memory_space<semaphore_mem>>) src(%arg5 : memref<32x8x128xf32, #tpu.memory_space<vmem>>) dst(%dma_wait3A_347 : memref<32x8x128xf32, #tpu.memory_space<hbm>>)
    %add3A_348 = arith.constant 224 : i32
    %add3A_349 = arith.addi %mul3A_2, %add3A_348 : i32
    %dma_start3A_350 = arith.constant 0 : i32
    %dma_start3A_351 = arith.constant 0 : i32
    %dma_start3A_352 = tpu.memref_slice %arg2[%add3A_349, %dma_start3A_350, %dma_start3A_351] : memref<8192x8x128xf32, #tpu.memory_space<hbm>> -> memref<32x8x128xf32, #tpu.memory_space<hbm>>
    %dma_start3A_353 = arith.constant 0 : i32
    %dma_start3A_354 = arith.constant 0 : i32
    %dma_start3A_355 = tpu.memref_slice %arg2[%add3A_349, %dma_start3A_353, %dma_start3A_354] : memref<8192x8x128xf32, #tpu.memory_space<hbm>> -> memref<32x8x128xf32, #tpu.memory_space<hbm>>
    tpu.enqueue_dma source(%dma_start3A_355 : memref<32x8x128xf32, #tpu.memory_space<hbm>>) target(%arg5 : memref<32x8x128xf32, #tpu.memory_space<vmem>>) target_semaphore(%arg8 : memref<!tpu.dma_semaphore, #tpu.memory_space<semaphore_mem>>)
    %dma_wait3A_356 = arith.constant 0 : i32
    %dma_wait3A_357 = arith.constant 0 : i32
    %dma_wait3A_358 = tpu.memref_slice %arg2[%add3A_217, %dma_wait3A_356, %dma_wait3A_357] : memref<8192x8x128xf32, #tpu.memory_space<hbm>> -> memref<32x8x128xf32, #tpu.memory_space<hbm>>
    %dma_wait3A_359 = arith.constant 0 : i32
    %dma_wait3A_360 = arith.constant 0 : i32
    %dma_wait3A_361 = tpu.memref_slice %arg2[%add3A_217, %dma_wait3A_359, %dma_wait3A_360] : memref<8192x8x128xf32, #tpu.memory_space<hbm>> -> memref<32x8x128xf32, #tpu.memory_space<hbm>>
    tpu.wait_dma2 semaphore(%arg9 : memref<!tpu.dma_semaphore, #tpu.memory_space<semaphore_mem>>) src(%dma_wait3A_361 : memref<32x8x128xf32, #tpu.memory_space<hbm>>) dst(%arg6 : memref<32x8x128xf32, #tpu.memory_space<vmem>>)
    %add3A_362 = arith.constant 0 : i32
    %add3A_363 = vector.broadcast %add3A_362 : i32 to vector<16xi32>
    %add3A_364 = arith.addi %iota3A, %add3A_363 : vector<16xi32>
    %broadcast_in_dim3A_365 = arith.constant 0 : i32
    %broadcast_in_dim3A_366 = vector.broadcast %broadcast_in_dim3A_365 : i32 to vector<16xi32>
    %broadcast_in_dim3A_367 = arith.constant 120 : i32
    %broadcast_in_dim3A_368 = vector.broadcast %broadcast_in_dim3A_367 : i32 to vector<16xi32>
    tpu.vector_store_idx %arg6[%add3A_364, %broadcast_in_dim3A_366, %broadcast_in_dim3A_368], %broadcast_in_dim3A_3 : memref<32x8x128xf32, #tpu.memory_space<vmem>>[vector<16xi32>, vector<16xi32>, vector<16xi32>], vector<16xf32>,
    %broadcast_in_dim3A_369 = arith.constant 4 : i32
    %broadcast_in_dim3A_370 = vector.broadcast %broadcast_in_dim3A_369 : i32 to vector<16xi32>
    %broadcast_in_dim3A_371 = arith.constant 120 : i32
    %broadcast_in_dim3A_372 = vector.broadcast %broadcast_in_dim3A_371 : i32 to vector<16xi32>
    tpu.vector_store_idx %arg6[%add3A_364, %broadcast_in_dim3A_370, %broadcast_in_dim3A_372], %broadcast_in_dim3A_3 : memref<32x8x128xf32, #tpu.memory_space<vmem>>[vector<16xi32>, vector<16xi32>, vector<16xi32>], vector<16xf32>,
    %broadcast_in_dim3A_373 = arith.constant 1 : i32
    %broadcast_in_dim3A_374 = vector.broadcast %broadcast_in_dim3A_373 : i32 to vector<16xi32>
    %broadcast_in_dim3A_375 = arith.constant 8 : i32
    %broadcast_in_dim3A_376 = vector.broadcast %broadcast_in_dim3A_375 : i32 to vector<16xi32>
    tpu.vector_store_idx %arg6[%add3A_364, %broadcast_in_dim3A_374, %broadcast_in_dim3A_376], %broadcast_in_dim3A_3 : memref<32x8x128xf32, #tpu.memory_space<vmem>>[vector<16xi32>, vector<16xi32>, vector<16xi32>], vector<16xf32>,
    %broadcast_in_dim3A_377 = arith.constant 5 : i32
    %broadcast_in_dim3A_378 = vector.broadcast %broadcast_in_dim3A_377 : i32 to vector<16xi32>
    %broadcast_in_dim3A_379 = arith.constant 8 : i32
    %broadcast_in_dim3A_380 = vector.broadcast %broadcast_in_dim3A_379 : i32 to vector<16xi32>
    tpu.vector_store_idx %arg6[%add3A_364, %broadcast_in_dim3A_378, %broadcast_in_dim3A_380], %broadcast_in_dim3A_3 : memref<32x8x128xf32, #tpu.memory_space<vmem>>[vector<16xi32>, vector<16xi32>, vector<16xi32>], vector<16xf32>,
    %add3A_381 = arith.constant 16 : i32
    %add3A_382 = vector.broadcast %add3A_381 : i32 to vector<16xi32>
    %add3A_383 = arith.addi %iota3A, %add3A_382 : vector<16xi32>
    %broadcast_in_dim3A_384 = arith.constant 0 : i32
    %broadcast_in_dim3A_385 = vector.broadcast %broadcast_in_dim3A_384 : i32 to vector<16xi32>
    %broadcast_in_dim3A_386 = arith.constant 120 : i32
    %broadcast_in_dim3A_387 = vector.broadcast %broadcast_in_dim3A_386 : i32 to vector<16xi32>
    tpu.vector_store_idx %arg6[%add3A_383, %broadcast_in_dim3A_385, %broadcast_in_dim3A_387], %broadcast_in_dim3A_3 : memref<32x8x128xf32, #tpu.memory_space<vmem>>[vector<16xi32>, vector<16xi32>, vector<16xi32>], vector<16xf32>,
    %broadcast_in_dim3A_388 = arith.constant 4 : i32
    %broadcast_in_dim3A_389 = vector.broadcast %broadcast_in_dim3A_388 : i32 to vector<16xi32>
    %broadcast_in_dim3A_390 = arith.constant 120 : i32
    %broadcast_in_dim3A_391 = vector.broadcast %broadcast_in_dim3A_390 : i32 to vector<16xi32>
    tpu.vector_store_idx %arg6[%add3A_383, %broadcast_in_dim3A_389, %broadcast_in_dim3A_391], %broadcast_in_dim3A_3 : memref<32x8x128xf32, #tpu.memory_space<vmem>>[vector<16xi32>, vector<16xi32>, vector<16xi32>], vector<16xf32>,
    %broadcast_in_dim3A_392 = arith.constant 1 : i32
    %broadcast_in_dim3A_393 = vector.broadcast %broadcast_in_dim3A_392 : i32 to vector<16xi32>
    %broadcast_in_dim3A_394 = arith.constant 8 : i32
    %broadcast_in_dim3A_395 = vector.broadcast %broadcast_in_dim3A_394 : i32 to vector<16xi32>
    tpu.vector_store_idx %arg6[%add3A_383, %broadcast_in_dim3A_393, %broadcast_in_dim3A_395], %broadcast_in_dim3A_3 : memref<32x8x128xf32, #tpu.memory_space<vmem>>[vector<16xi32>, vector<16xi32>, vector<16xi32>], vector<16xf32>,
    %broadcast_in_dim3A_396 = arith.constant 5 : i32
    %broadcast_in_dim3A_397 = vector.broadcast %broadcast_in_dim3A_396 : i32 to vector<16xi32>
    %broadcast_in_dim3A_398 = arith.constant 8 : i32
    %broadcast_in_dim3A_399 = vector.broadcast %broadcast_in_dim3A_398 : i32 to vector<16xi32>
    tpu.vector_store_idx %arg6[%add3A_383, %broadcast_in_dim3A_397, %broadcast_in_dim3A_399], %broadcast_in_dim3A_3 : memref<32x8x128xf32, #tpu.memory_space<vmem>>[vector<16xi32>, vector<16xi32>, vector<16xi32>], vector<16xf32>,
    %add3A_400 = arith.constant 160 : i32
    %add3A_401 = arith.addi %mul3A_2, %add3A_400 : i32
    %dma_start3A_402 = arith.constant 0 : i32
    %dma_start3A_403 = arith.constant 0 : i32
    %dma_start3A_404 = tpu.memref_slice %arg3[%add3A_401, %dma_start3A_402, %dma_start3A_403] : memref<8192x8x128xf32, #tpu.memory_space<hbm>> -> memref<32x8x128xf32, #tpu.memory_space<hbm>>
    %dma_start3A_405 = arith.constant 0 : i32
    %dma_start3A_406 = arith.constant 0 : i32
    %dma_start3A_407 = tpu.memref_slice %arg3[%add3A_401, %dma_start3A_405, %dma_start3A_406] : memref<8192x8x128xf32, #tpu.memory_space<hbm>> -> memref<32x8x128xf32, #tpu.memory_space<hbm>>
    tpu.enqueue_dma source(%arg6 : memref<32x8x128xf32, #tpu.memory_space<vmem>>) target(%dma_start3A_407 : memref<32x8x128xf32, #tpu.memory_space<hbm>>) target_semaphore(%arg12 : memref<!tpu.dma_semaphore, #tpu.memory_space<semaphore_mem>>)
    %dma_wait3A_408 = arith.constant 0 : i32
    %dma_wait3A_409 = arith.constant 0 : i32
    %dma_wait3A_410 = tpu.memref_slice %arg2[%add3A_283, %dma_wait3A_408, %dma_wait3A_409] : memref<8192x8x128xf32, #tpu.memory_space<hbm>> -> memref<32x8x128xf32, #tpu.memory_space<hbm>>
    %dma_wait3A_411 = arith.constant 0 : i32
    %dma_wait3A_412 = arith.constant 0 : i32
    %dma_wait3A_413 = tpu.memref_slice %arg2[%add3A_283, %dma_wait3A_411, %dma_wait3A_412] : memref<8192x8x128xf32, #tpu.memory_space<hbm>> -> memref<32x8x128xf32, #tpu.memory_space<hbm>>
    tpu.wait_dma2 semaphore(%arg7 : memref<!tpu.dma_semaphore, #tpu.memory_space<semaphore_mem>>) src(%dma_wait3A_413 : memref<32x8x128xf32, #tpu.memory_space<hbm>>) dst(%arg4 : memref<32x8x128xf32, #tpu.memory_space<vmem>>)
    %add3A_414 = arith.constant 0 : i32
    %add3A_415 = vector.broadcast %add3A_414 : i32 to vector<16xi32>
    %add3A_416 = arith.addi %iota3A, %add3A_415 : vector<16xi32>
    %broadcast_in_dim3A_417 = arith.constant 0 : i32
    %broadcast_in_dim3A_418 = vector.broadcast %broadcast_in_dim3A_417 : i32 to vector<16xi32>
    %broadcast_in_dim3A_419 = arith.constant 120 : i32
    %broadcast_in_dim3A_420 = vector.broadcast %broadcast_in_dim3A_419 : i32 to vector<16xi32>
    tpu.vector_store_idx %arg4[%add3A_416, %broadcast_in_dim3A_418, %broadcast_in_dim3A_420], %broadcast_in_dim3A_3 : memref<32x8x128xf32, #tpu.memory_space<vmem>>[vector<16xi32>, vector<16xi32>, vector<16xi32>], vector<16xf32>,
    %broadcast_in_dim3A_421 = arith.constant 4 : i32
    %broadcast_in_dim3A_422 = vector.broadcast %broadcast_in_dim3A_421 : i32 to vector<16xi32>
    %broadcast_in_dim3A_423 = arith.constant 120 : i32
    %broadcast_in_dim3A_424 = vector.broadcast %broadcast_in_dim3A_423 : i32 to vector<16xi32>
    tpu.vector_store_idx %arg4[%add3A_416, %broadcast_in_dim3A_422, %broadcast_in_dim3A_424], %broadcast_in_dim3A_3 : memref<32x8x128xf32, #tpu.memory_space<vmem>>[vector<16xi32>, vector<16xi32>, vector<16xi32>], vector<16xf32>,
    %broadcast_in_dim3A_425 = arith.constant 1 : i32
    %broadcast_in_dim3A_426 = vector.broadcast %broadcast_in_dim3A_425 : i32 to vector<16xi32>
    %broadcast_in_dim3A_427 = arith.constant 8 : i32
    %broadcast_in_dim3A_428 = vector.broadcast %broadcast_in_dim3A_427 : i32 to vector<16xi32>
    tpu.vector_store_idx %arg4[%add3A_416, %broadcast_in_dim3A_426, %broadcast_in_dim3A_428], %broadcast_in_dim3A_3 : memref<32x8x128xf32, #tpu.memory_space<vmem>>[vector<16xi32>, vector<16xi32>, vector<16xi32>], vector<16xf32>,
    %broadcast_in_dim3A_429 = arith.constant 5 : i32
    %broadcast_in_dim3A_430 = vector.broadcast %broadcast_in_dim3A_429 : i32 to vector<16xi32>
    %broadcast_in_dim3A_431 = arith.constant 8 : i32
    %broadcast_in_dim3A_432 = vector.broadcast %broadcast_in_dim3A_431 : i32 to vector<16xi32>
    tpu.vector_store_idx %arg4[%add3A_416, %broadcast_in_dim3A_430, %broadcast_in_dim3A_432], %broadcast_in_dim3A_3 : memref<32x8x128xf32, #tpu.memory_space<vmem>>[vector<16xi32>, vector<16xi32>, vector<16xi32>], vector<16xf32>,
    %add3A_433 = arith.constant 16 : i32
    %add3A_434 = vector.broadcast %add3A_433 : i32 to vector<16xi32>
    %add3A_435 = arith.addi %iota3A, %add3A_434 : vector<16xi32>
    %broadcast_in_dim3A_436 = arith.constant 0 : i32
    %broadcast_in_dim3A_437 = vector.broadcast %broadcast_in_dim3A_436 : i32 to vector<16xi32>
    %broadcast_in_dim3A_438 = arith.constant 120 : i32
    %broadcast_in_dim3A_439 = vector.broadcast %broadcast_in_dim3A_438 : i32 to vector<16xi32>
    tpu.vector_store_idx %arg4[%add3A_435, %broadcast_in_dim3A_437, %broadcast_in_dim3A_439], %broadcast_in_dim3A_3 : memref<32x8x128xf32, #tpu.memory_space<vmem>>[vector<16xi32>, vector<16xi32>, vector<16xi32>], vector<16xf32>,
    %broadcast_in_dim3A_440 = arith.constant 4 : i32
    %broadcast_in_dim3A_441 = vector.broadcast %broadcast_in_dim3A_440 : i32 to vector<16xi32>
    %broadcast_in_dim3A_442 = arith.constant 120 : i32
    %broadcast_in_dim3A_443 = vector.broadcast %broadcast_in_dim3A_442 : i32 to vector<16xi32>
    tpu.vector_store_idx %arg4[%add3A_435, %broadcast_in_dim3A_441, %broadcast_in_dim3A_443], %broadcast_in_dim3A_3 : memref<32x8x128xf32, #tpu.memory_space<vmem>>[vector<16xi32>, vector<16xi32>, vector<16xi32>], vector<16xf32>,
    %broadcast_in_dim3A_444 = arith.constant 1 : i32
    %broadcast_in_dim3A_445 = vector.broadcast %broadcast_in_dim3A_444 : i32 to vector<16xi32>
    %broadcast_in_dim3A_446 = arith.constant 8 : i32
    %broadcast_in_dim3A_447 = vector.broadcast %broadcast_in_dim3A_446 : i32 to vector<16xi32>
    tpu.vector_store_idx %arg4[%add3A_435, %broadcast_in_dim3A_445, %broadcast_in_dim3A_447], %broadcast_in_dim3A_3 : memref<32x8x128xf32, #tpu.memory_space<vmem>>[vector<16xi32>, vector<16xi32>, vector<16xi32>], vector<16xf32>,
    %broadcast_in_dim3A_448 = arith.constant 5 : i32
    %broadcast_in_dim3A_449 = vector.broadcast %broadcast_in_dim3A_448 : i32 to vector<16xi32>
    %broadcast_in_dim3A_450 = arith.constant 8 : i32
    %broadcast_in_dim3A_451 = vector.broadcast %broadcast_in_dim3A_450 : i32 to vector<16xi32>
    tpu.vector_store_idx %arg4[%add3A_435, %broadcast_in_dim3A_449, %broadcast_in_dim3A_451], %broadcast_in_dim3A_3 : memref<32x8x128xf32, #tpu.memory_space<vmem>>[vector<16xi32>, vector<16xi32>, vector<16xi32>], vector<16xf32>,
    %add3A_452 = arith.constant 192 : i32
    %add3A_453 = arith.addi %mul3A_2, %add3A_452 : i32
    %dma_start3A_454 = arith.constant 0 : i32
    %dma_start3A_455 = arith.constant 0 : i32
    %dma_start3A_456 = tpu.memref_slice %arg3[%add3A_453, %dma_start3A_454, %dma_start3A_455] : memref<8192x8x128xf32, #tpu.memory_space<hbm>> -> memref<32x8x128xf32, #tpu.memory_space<hbm>>
    %dma_start3A_457 = arith.constant 0 : i32
    %dma_start3A_458 = arith.constant 0 : i32
    %dma_start3A_459 = tpu.memref_slice %arg3[%add3A_453, %dma_start3A_457, %dma_start3A_458] : memref<8192x8x128xf32, #tpu.memory_space<hbm>> -> memref<32x8x128xf32, #tpu.memory_space<hbm>>
    tpu.enqueue_dma source(%arg4 : memref<32x8x128xf32, #tpu.memory_space<vmem>>) target(%dma_start3A_459 : memref<32x8x128xf32, #tpu.memory_space<hbm>>) target_semaphore(%arg10 : memref<!tpu.dma_semaphore, #tpu.memory_space<semaphore_mem>>)
    %dma_wait3A_460 = arith.constant 0 : i32
    %dma_wait3A_461 = arith.constant 0 : i32
    %dma_wait3A_462 = tpu.memref_slice %arg2[%add3A_349, %dma_wait3A_460, %dma_wait3A_461] : memref<8192x8x128xf32, #tpu.memory_space<hbm>> -> memref<32x8x128xf32, #tpu.memory_space<hbm>>
    %dma_wait3A_463 = arith.constant 0 : i32
    %dma_wait3A_464 = arith.constant 0 : i32
    %dma_wait3A_465 = tpu.memref_slice %arg2[%add3A_349, %dma_wait3A_463, %dma_wait3A_464] : memref<8192x8x128xf32, #tpu.memory_space<hbm>> -> memref<32x8x128xf32, #tpu.memory_space<hbm>>
    tpu.wait_dma2 semaphore(%arg8 : memref<!tpu.dma_semaphore, #tpu.memory_space<semaphore_mem>>) src(%dma_wait3A_465 : memref<32x8x128xf32, #tpu.memory_space<hbm>>) dst(%arg5 : memref<32x8x128xf32, #tpu.memory_space<vmem>>)
    %add3A_466 = arith.constant 0 : i32
    %add3A_467 = vector.broadcast %add3A_466 : i32 to vector<16xi32>
    %add3A_468 = arith.addi %iota3A, %add3A_467 : vector<16xi32>
    %broadcast_in_dim3A_469 = arith.constant 0 : i32
    %broadcast_in_dim3A_470 = vector.broadcast %broadcast_in_dim3A_469 : i32 to vector<16xi32>
    %broadcast_in_dim3A_471 = arith.constant 120 : i32
    %broadcast_in_dim3A_472 = vector.broadcast %broadcast_in_dim3A_471 : i32 to vector<16xi32>
    tpu.vector_store_idx %arg5[%add3A_468, %broadcast_in_dim3A_470, %broadcast_in_dim3A_472], %broadcast_in_dim3A_3 : memref<32x8x128xf32, #tpu.memory_space<vmem>>[vector<16xi32>, vector<16xi32>, vector<16xi32>], vector<16xf32>,
    %broadcast_in_dim3A_473 = arith.constant 4 : i32
    %broadcast_in_dim3A_474 = vector.broadcast %broadcast_in_dim3A_473 : i32 to vector<16xi32>
    %broadcast_in_dim3A_475 = arith.constant 120 : i32
    %broadcast_in_dim3A_476 = vector.broadcast %broadcast_in_dim3A_475 : i32 to vector<16xi32>
    tpu.vector_store_idx %arg5[%add3A_468, %broadcast_in_dim3A_474, %broadcast_in_dim3A_476], %broadcast_in_dim3A_3 : memref<32x8x128xf32, #tpu.memory_space<vmem>>[vector<16xi32>, vector<16xi32>, vector<16xi32>], vector<16xf32>,
    %broadcast_in_dim3A_477 = arith.constant 1 : i32
    %broadcast_in_dim3A_478 = vector.broadcast %broadcast_in_dim3A_477 : i32 to vector<16xi32>
    %broadcast_in_dim3A_479 = arith.constant 8 : i32
    %broadcast_in_dim3A_480 = vector.broadcast %broadcast_in_dim3A_479 : i32 to vector<16xi32>
    tpu.vector_store_idx %arg5[%add3A_468, %broadcast_in_dim3A_478, %broadcast_in_dim3A_480], %broadcast_in_dim3A_3 : memref<32x8x128xf32, #tpu.memory_space<vmem>>[vector<16xi32>, vector<16xi32>, vector<16xi32>], vector<16xf32>,
    %broadcast_in_dim3A_481 = arith.constant 5 : i32
    %broadcast_in_dim3A_482 = vector.broadcast %broadcast_in_dim3A_481 : i32 to vector<16xi32>
    %broadcast_in_dim3A_483 = arith.constant 8 : i32
    %broadcast_in_dim3A_484 = vector.broadcast %broadcast_in_dim3A_483 : i32 to vector<16xi32>
    tpu.vector_store_idx %arg5[%add3A_468, %broadcast_in_dim3A_482, %broadcast_in_dim3A_484], %broadcast_in_dim3A_3 : memref<32x8x128xf32, #tpu.memory_space<vmem>>[vector<16xi32>, vector<16xi32>, vector<16xi32>], vector<16xf32>,
    %add3A_485 = arith.constant 16 : i32
    %add3A_486 = vector.broadcast %add3A_485 : i32 to vector<16xi32>
    %add3A_487 = arith.addi %iota3A, %add3A_486 : vector<16xi32>
    %broadcast_in_dim3A_488 = arith.constant 0 : i32
    %broadcast_in_dim3A_489 = vector.broadcast %broadcast_in_dim3A_488 : i32 to vector<16xi32>
    %broadcast_in_dim3A_490 = arith.constant 120 : i32
    %broadcast_in_dim3A_491 = vector.broadcast %broadcast_in_dim3A_490 : i32 to vector<16xi32>
    tpu.vector_store_idx %arg5[%add3A_487, %broadcast_in_dim3A_489, %broadcast_in_dim3A_491], %broadcast_in_dim3A_3 : memref<32x8x128xf32, #tpu.memory_space<vmem>>[vector<16xi32>, vector<16xi32>, vector<16xi32>], vector<16xf32>,
    %broadcast_in_dim3A_492 = arith.constant 4 : i32
    %broadcast_in_dim3A_493 = vector.broadcast %broadcast_in_dim3A_492 : i32 to vector<16xi32>
    %broadcast_in_dim3A_494 = arith.constant 120 : i32
    %broadcast_in_dim3A_495 = vector.broadcast %broadcast_in_dim3A_494 : i32 to vector<16xi32>
    tpu.vector_store_idx %arg5[%add3A_487, %broadcast_in_dim3A_493, %broadcast_in_dim3A_495], %broadcast_in_dim3A_3 : memref<32x8x128xf32, #tpu.memory_space<vmem>>[vector<16xi32>, vector<16xi32>, vector<16xi32>], vector<16xf32>,
    %broadcast_in_dim3A_496 = arith.constant 1 : i32
    %broadcast_in_dim3A_497 = vector.broadcast %broadcast_in_dim3A_496 : i32 to vector<16xi32>
    %broadcast_in_dim3A_498 = arith.constant 8 : i32
    %broadcast_in_dim3A_499 = vector.broadcast %broadcast_in_dim3A_498 : i32 to vector<16xi32>
    tpu.vector_store_idx %arg5[%add3A_487, %broadcast_in_dim3A_497, %broadcast_in_dim3A_499], %broadcast_in_dim3A_3 : memref<32x8x128xf32, #tpu.memory_space<vmem>>[vector<16xi32>, vector<16xi32>, vector<16xi32>], vector<16xf32>,
    %broadcast_in_dim3A_500 = arith.constant 5 : i32
    %broadcast_in_dim3A_501 = vector.broadcast %broadcast_in_dim3A_500 : i32 to vector<16xi32>
    %broadcast_in_dim3A_502 = arith.constant 8 : i32
    %broadcast_in_dim3A_503 = vector.broadcast %broadcast_in_dim3A_502 : i32 to vector<16xi32>
    tpu.vector_store_idx %arg5[%add3A_487, %broadcast_in_dim3A_501, %broadcast_in_dim3A_503], %broadcast_in_dim3A_3 : memref<32x8x128xf32, #tpu.memory_space<vmem>>[vector<16xi32>, vector<16xi32>, vector<16xi32>], vector<16xf32>,
    %add3A_504 = arith.constant 224 : i32
    %add3A_505 = arith.addi %mul3A_2, %add3A_504 : i32
    %dma_start3A_506 = arith.constant 0 : i32
    %dma_start3A_507 = arith.constant 0 : i32
    %dma_start3A_508 = tpu.memref_slice %arg3[%add3A_505, %dma_start3A_506, %dma_start3A_507] : memref<8192x8x128xf32, #tpu.memory_space<hbm>> -> memref<32x8x128xf32, #tpu.memory_space<hbm>>
    %dma_start3A_509 = arith.constant 0 : i32
    %dma_start3A_510 = arith.constant 0 : i32
    %dma_start3A_511 = tpu.memref_slice %arg3[%add3A_505, %dma_start3A_509, %dma_start3A_510] : memref<8192x8x128xf32, #tpu.memory_space<hbm>> -> memref<32x8x128xf32, #tpu.memory_space<hbm>>
    tpu.enqueue_dma source(%arg5 : memref<32x8x128xf32, #tpu.memory_space<vmem>>) target(%dma_start3A_511 : memref<32x8x128xf32, #tpu.memory_space<hbm>>) target_semaphore(%arg11 : memref<!tpu.dma_semaphore, #tpu.memory_space<semaphore_mem>>)
    %dma_wait3A_512 = arith.constant 0 : i32
    %dma_wait3A_513 = arith.constant 0 : i32
    %dma_wait3A_514 = tpu.memref_slice %arg3[%add3A_401, %dma_wait3A_512, %dma_wait3A_513] : memref<8192x8x128xf32, #tpu.memory_space<hbm>> -> memref<32x8x128xf32, #tpu.memory_space<hbm>>
    %dma_wait3A_515 = arith.constant 0 : i32
    %dma_wait3A_516 = arith.constant 0 : i32
    %dma_wait3A_517 = tpu.memref_slice %arg3[%add3A_401, %dma_wait3A_515, %dma_wait3A_516] : memref<8192x8x128xf32, #tpu.memory_space<hbm>> -> memref<32x8x128xf32, #tpu.memory_space<hbm>>
    tpu.wait_dma2 semaphore(%arg12 : memref<!tpu.dma_semaphore, #tpu.memory_space<semaphore_mem>>) src(%arg6 : memref<32x8x128xf32, #tpu.memory_space<vmem>>) dst(%dma_wait3A_517 : memref<32x8x128xf32, #tpu.memory_space<hbm>>)
    %dma_wait3A_518 = arith.constant 0 : i32
    %dma_wait3A_519 = arith.constant 0 : i32
    %dma_wait3A_520 = tpu.memref_slice %arg3[%add3A_453, %dma_wait3A_518, %dma_wait3A_519] : memref<8192x8x128xf32, #tpu.memory_space<hbm>> -> memref<32x8x128xf32, #tpu.memory_space<hbm>>
    %dma_wait3A_521 = arith.constant 0 : i32
    %dma_wait3A_522 = arith.constant 0 : i32
    %dma_wait3A_523 = tpu.memref_slice %arg3[%add3A_453, %dma_wait3A_521, %dma_wait3A_522] : memref<8192x8x128xf32, #tpu.memory_space<hbm>> -> memref<32x8x128xf32, #tpu.memory_space<hbm>>
    tpu.wait_dma2 semaphore(%arg10 : memref<!tpu.dma_semaphore, #tpu.memory_space<semaphore_mem>>) src(%arg4 : memref<32x8x128xf32, #tpu.memory_space<vmem>>) dst(%dma_wait3A_523 : memref<32x8x128xf32, #tpu.memory_space<hbm>>)
    %dma_wait3A_524 = arith.constant 0 : i32
    %dma_wait3A_525 = arith.constant 0 : i32
    %dma_wait3A_526 = tpu.memref_slice %arg3[%add3A_505, %dma_wait3A_524, %dma_wait3A_525] : memref<8192x8x128xf32, #tpu.memory_space<hbm>> -> memref<32x8x128xf32, #tpu.memory_space<hbm>>
    %dma_wait3A_527 = arith.constant 0 : i32
    %dma_wait3A_528 = arith.constant 0 : i32
    %dma_wait3A_529 = tpu.memref_slice %arg3[%add3A_505, %dma_wait3A_527, %dma_wait3A_528] : memref<8192x8x128xf32, #tpu.memory_space<hbm>> -> memref<32x8x128xf32, #tpu.memory_space<hbm>>
    tpu.wait_dma2 semaphore(%arg11 : memref<!tpu.dma_semaphore, #tpu.memory_space<semaphore_mem>>) src(%arg5 : memref<32x8x128xf32, #tpu.memory_space<vmem>>) dst(%dma_wait3A_529 : memref<32x8x128xf32, #tpu.memory_space<hbm>>)
    return
  }
}

</mosaic_0001>

<sc_bundles>
// kernel: kernel.3.cloned.1.call-start
scs
__scs_entry_jumppad:
0x0: {  	(pc) =	sbr.rel $0x88, $3  }
0x1: {  	(tag) =	ssettag $0x0;
	lr =	simm.s32 $0x1  }
0x2: {  	[smem:$0x3FA0] =	sst lr;
	_ =	strace $0xD0000000  }
0x3: {  	_ = 	snop  }
0x4: {  	_ = 	snop  }
0x5: {  	_ = 	snop  }
0x6: {  	_ = 	snop  }
0x7: {  	_ = 	snop  }
__scs_overlays_trampoline_lowered:
0x8: {  	[smem:$0x3FAF] =	sst s0  }
0x9: {  	[smem:$0x3FB0] =	sst s1  }
0xa: {  	[smem:$0x3FB1] =	sst s2  }
0xb: {  	[smem:$0x3FB2] =	sst s3  }
0xc: {  	[smem:$0x3FB3] =	sst s4  }
0xd: {  	[smem:$0x3FB4] =	sst s5  }
0xe: {  	[smem:$0x3FB5] =	sst s6  }
0xf: {  	[smem:$0x3FB6] =	sst s7  }
0x10: {  	[smem:$0x3FB7] =	sst s8  }
0x11: {  	[smem:$0x3FB8] =	sst s9;
	s0 =	simm.s32 @!p0 $0x0  }
0x12: {  	s1 =	sld [smem:$0x3F9E];
	s0 =	simm.s32 @p0 $0x1  }
0x13: {  	[smem:$0x3FB9] =	sst s0;
	s0 =	simm.s32 @!p1 $0x0  }
0x14: {  	s2 =	sld [smem:$0x3F9D];
	s0 =	simm.s32 @p1 $0x1  }
0x15: {  	[smem:$0x3FBA] =	sst s0;
	s0 =	simm.s32 @!p2 $0x0  }
0x16: {  	s3 =	sld [smem:$0x3FDB];
	s0 =	simm.s32 @p2 $0x1  }
0x17: {  	s4 =	simm.s32 $0x1BF5;
	[smem:$0x3FBC] =	sst s0  }
0x18: {  	s0 =	sld [smem:$0x3F9F];
	_ =	swait.ge [sflag:s4], $0x0  }
0x19: {  	s7 =	sld [smem:$0x3FA0]  }
0x1a: {  	s8 =	sadd.s32 $0xFFFFE003, lr  }
0x1b: {  	s9 =	sadd.s32 $0xFFFFFEF7, lr;
	s5 =	simm.s32 $0xFFFFFFFF;
	p2 =	slt.u32 s8, $0xFFFFF086  }
0x1c: {  	p1 =	slt.u32 s9, $0xF7A;
	s5 =	simm.s32 @!p2 $0x0  }
0x1d: {  	s5 =	simm.s32 @p1 $0x1;
	p0 =	seq.s32 s7, s2  }
0x1e: {  	s7 =	smul.u32 @!p0 $0xF7A, s2;
	p2 =	seq.s32 @!p0 s5, $0x0  }
0x1f: {  	s9 =	smul.u32 $0xF7A, s1;
	s8 =	simm.s32 @!p0 $0x1BF5;
	p2 =	por !p2, p0  }
0x20: {  	[sflag:s8] =	ssyncset.s32 @!p0 $0xFFFFF086;
	s6 =	sadd.s32 @!p0 s3, s7;
	s7 =	simm.s32 @!p0 $0x108  }
0x21: {  	s3 =	sadd.s32 s3, s9;
	s6 =	sadd.s32 @!p0 $0x88, s6;
	s7 =	simm.s32 @p2 $0x1082  }
0x22: {  	[simem:s7], [sflag:s8] =	dma.local @!p0 [hbm:s6], $0xF7A  }
0x23: {  	s9 =	sor.u32 $0xD0000000, s2;
	s6 =	simm.s32 $0x108;
	_ =	swait.ge @!p0 [sflag:s8], $0x0  }
0x24: {  	s3 =	sadd.s32 $0x88, s3;
	s6 =	simm.s32 @!p1 $0x1082;
	[sflag:s4] =	ssyncset.s32 $0xFFFFF086  }
0x25: {  	[simem:s6], [sflag:s4] =	dma.local [hbm:s3], $0xF7A  }
0x26: {  	[smem:$0x3FA0] =	sst s1;
	(tag) =	ssettag s2;
	_ =	strace s9  }
0x27: {  	s1 =	sld [smem:$0x3FB0]  }
0x28: {  	s2 =	sld [smem:$0x3FB1]  }
0x29: {  	s4 =	sld [smem:$0x3FB3]  }
0x2a: {  	p0 =	seq.s32 s5, $0x0;
	s5 =	sld [smem:$0x3FB4]  }
0x2b: {  	s6 =	sld [smem:$0x3FB5]  }
0x2c: {  	s7 =	sld [smem:$0x3FB6]  }
0x2d: {  	s3 =	simm.s32 $0x108;
	s8 =	sld [smem:$0x3FB7]  }
0x2e: {  	s3 =	simm.s32 @!p0 $0x1082;
	s9 =	sld [smem:$0x3FB8]  }
0x2f: {  	lr =	sadd.s32 s0, s3;
	s0 =	sld [smem:$0x3FAF]  }
0x30: {  	s3 =	sld [smem:$0x3FB2]  }
0x31: {  	[smem:$0x3FBB] =	sst s10  }
0x32: {  	s10 =	sld [smem:$0x3FB9];
	_ =	sdelay $0x3  }
0x33: {  	p0 =	seq.s32 s10, $0x1;
	s10 =	sld [smem:$0x3FBB];
	_ =	sdelay $0x3  }
0x34: {  	[smem:$0x3FBB] =	sst s10  }
0x35: {  	s10 =	sld [smem:$0x3FBA];
	_ =	sdelay $0x3  }
0x36: {  	p1 =	seq.s32 s10, $0x1;
	s10 =	sld [smem:$0x3FBB];
	_ =	sdelay $0x3  }
0x37: {  	[smem:$0x3FBB] =	sst s10  }
0x38: {  	s10 =	sld [smem:$0x3FBC]  }
0x39: {  	_ = 	snop;
	(pc) =	sbr.ind lr, $3  }
0x3a: {  	_ = 	snop  }
0x3b: {  	_ = 	snop  }
0x3c: {  	p2 =	seq.s32 s10, $0x1;
	s10 =	sld [smem:$0x3FBB]  }
0x3d: {  	_ =	shalt  }
0x3e: {  	_ =	shalt  }
0x3f: {  	_ =	shalt  }
0x40: {  	_ =	shalt  }
0x41: {  	_ =	shalt  }
0x42: {  	_ =	shalt  }
0x43: {  	_ =	shalt  }
0x44: {  	_ =	shalt  }
0x45: {  	_ =	shalt  }
0x46: {  	_ =	shalt  }
0x47: {  	_ =	shalt  }
0x48: {  	_ =	shalt  }
0x49: {  	_ =	shalt  }
0x4a: {  	_ =	shalt  }
0x4b: {  	_ =	shalt  }
0x4c: {  	_ =	shalt  }
0x4d: {  	_ =	shalt  }
0x4e: {  	_ =	shalt  }
0x4f: {  	_ =	shalt  }
0x50: {  	_ =	shalt  }
0x51: {  	_ =	shalt  }
0x52: {  	_ =	shalt  }
0x53: {  	_ =	shalt  }
0x54: {  	_ =	shalt  }
0x55: {  	_ =	shalt  }
0x56: {  	_ =	shalt  }
0x57: {  	_ =	shalt  }
0x58: {  	_ =	shalt  }
0x59: {  	_ =	shalt  }
0x5a: {  	_ =	shalt  }
0x5b: {  	_ =	shalt  }
0x5c: {  	_ =	shalt  }
0x5d: {  	_ =	shalt  }
0x5e: {  	_ =	shalt  }
0x5f: {  	_ =	shalt  }
0x60: {  	_ =	shalt  }
0x61: {  	_ =	shalt  }
0x62: {  	_ =	shalt  }
0x63: {  	_ =	shalt  }
0x64: {  	_ =	shalt  }
0x65: {  	_ =	shalt  }
0x66: {  	_ =	shalt  }
0x67: {  	_ =	shalt  }
0x68: {  	_ =	shalt  }
0x69: {  	_ =	shalt  }
0x6a: {  	_ =	shalt  }
0x6b: {  	_ =	shalt  }
0x6c: {  	_ =	shalt  }
0x6d: {  	_ =	shalt  }
0x6e: {  	_ =	shalt  }
0x6f: {  	_ =	shalt  }
0x70: {  	_ =	shalt  }
0x71: {  	_ =	shalt  }
0x72: {  	_ =	shalt  }
0x73: {  	_ =	shalt  }
0x74: {  	_ =	shalt  }
0x75: {  	_ =	shalt  }
0x76: {  	_ =	shalt  }
0x77: {  	_ =	shalt  }
0x78: {  	_ =	shalt  }
0x79: {  	_ =	shalt  }
0x7a: {  	_ =	shalt  }
0x7b: {  	_ =	shalt  }
0x7c: {  	_ =	shalt  }
0x7d: {  	_ =	shalt  }
0x7e: {  	_ =	shalt  }
0x7f: {  	_ =	shalt  }
0x80: {  	_ =	shalt  }
0x81: {  	_ =	shalt  }
0x82: {  	_ =	shalt  }
0x83: {  	_ =	shalt  }
0x84: {  	_ =	shalt  }
0x85: {  	_ =	shalt  }
0x86: {  	_ =	shalt  }
0x87: {  	_ =	shalt  }
.Lfunc_end0:
.L_simem_size_0:
called_computation_lowered:
.L_overlay_start_0:
0x88: {  	s2 =	sld [smem:$0x3FD9]  }
0x89: {  	s3 =	sld [smem:$0x3FFE];
	_ =	sdelay $0x1  }
0x8a: {  	s1 =	srdreg.scid  }
0x8b: {  	s0 =	sand.u32 $0x1, s1  }
0x8c: {  	s18 =	sshll.u32 s0, $0xA;
	s2 =	sadd.s32 s3, s2  }
0x8d: {  	s2 =	sadd.s32 s2, s18  }
0x8e: {  	[smem:$0x3FC7] =	sst s2  }
0x8f: {  	_ = 	snop  }
0x90: {  	s2 =	sld [smem:$0x3FC9]  }
0x91: {  	s19 =	sld [smem:$0x3FD0];
	(tm) =	ssettm $0x1  }
0x92: {  	s4 =	sld [smem:$0x3FFB];
	_ =	sdelay $0x3  }
0x93: {  	_ =	strace s4  }
0x94: {  	s4 =	sld [smem:$0x3FFC];
	_ =	sdelay $0x3  }
0x95: {  	_ =	strace s4  }
0x96: {  	s4 =	sld [smem:$0x3FFD];
	_ =	sdelay $0x3  }
0x97: {  	_ =	strace s4  }
0x98: {  	_ =	strace $0x8FFFFFFF  }
0x99: {  	s20 =	sld [smem:$0x3FDB];
	_ =	sdelay $0x1  }
0x9a: {  	s5 =	simm.s32 $_scs_section_size  }
0x9b: {  	s6 =	simm.s32 $_size__tile_overlayer_lowered;
	s7 =	simm.s32 $_tile_overlayer_lowered  }
0x9c: {  	s23 =	simm.s32 $0x1BFF;
	s22 =	sshll.u32 s7, $0x1;
	s4 =	sadd.s32 s5, s20  }
0x9d: {  	s8 =	simm.s32 $0x0;
	s21 =	sshll.u32 s6, $0x1;
	s6 =	sadd.s32 s22, s4  }
0x9e: {  	[timem:s8], [sflag:s23] =	dma.local [hbm:s6], s21  }
0x9f: {  	_ =	swait.ge [sflag:s23], s21  }
0xa0: {  	s5 =	ssub.s32 $0x0, s21;
	[sflag:s23] =	ssyncset.done $0x0  }
0xa1: {  	[sflag:s23] =	ssyncadd.s32 s5;
	_ =	sdelay $0x1  }
0xa2: {  	s24 =	simm.s32 $0x1B8B  }
0xa3: {  	_ =	swait.ge [sflag:s24], $0x1  }
0xa4: {  	[sflag:s24] =	ssyncset.done $0x0  }
0xa5: {  	s25 =	simm.s32 $0x1B8E;
	[sflag:s24] =	ssyncadd.s32 $0xFFFFFFFF  }
0xa6: {  	s26 =	simm.s32 $execute0_lowered;
	[smem:$0x3FD2] =	sst s25  }
0xa7: {  	s5 =	sshll.u32 s26, $0x1;
	_ =	strace $0x80000046;
	[dreg:$0x1] =	wrdreg $0xFFFFFFFF  }
0xa8: {  	s28 =	simm.s32 $_size_execute0_lowered;
	s4 =	sadd.s32 s4, s5;
	[dreg:$0x0] =	wrdreg $0x0  }
0xa9: {  	s5 =	sshll.u32 s28, $0x1;
	[dreg:$0x2] =	wrdreg s4  }
0xaa: {  	[dreg:$0x3] =	wrdreg s5  }
0xab: {  	[dreg:$0x4] =	wrdreg $0xC0  }
0xac: {  	_ =	task [dreg:s8], $0x5FFFF  }
0xad: {  	[dreg:$0x1] =	wrdreg $0xFFFFFFFF  }
0xae: {  	[dreg:$0x0] =	wrdreg $0x60  }
0xaf: {  	[dreg:$0x2] =	wrdreg s2  }
0xb0: {  	[dreg:$0x3] =	wrdreg s19  }
0xb1: {  	[dreg:$0x4] =	wrdreg $0x9  }
0xb2: {  	_ =	task.clear_ibuf [dreg:s8], $0x5FFFF;
	_ =	strace $0x90000046  }
0xb3: {  	s29 =	simm.s32 $0x9;
	_ =	strace $0x80000048  }
0xb4: {  	_ =	swait.ge [sflag:s29], $0x1  }
0xb5: {  	[sflag:s29] =	ssyncadd.s32 $0xFFFFFFFF  }
0xb6: {  	_ =	strace $0x90000048  }
0xb7: {  	_ =	sfence  }
0xb8: {  	s30 =	sld [smem:$0x0];
	_ =	sdelay $0x2  }
0xb9: {  	s31 =	sshll.u32 s1, $0xD;
	s1 =	sshrl.u32 s1, $0x2  }
0xba: {  	s3 =	sand.u32 $0x4000, s31;
	s1 =	sadd.s32 s1, s30  }
0xbb: {  	s0 =	sor.u32 s3, s0;
	s1 =	sshll.u32 s1, $0x11  }
0xbc: {  	s0 =	sor.u32 s1, s0  }
0xbd: {  	s0 =	sadd.s32 $0x8F2B, s0  }
0xbe: {  	[sflag:s0] =	ssyncadd.remote.s32 $0x1  }
0xbf: {  	_ =	sfence.sel $0xFFFF  }
0xc0: {  	[dreg:$0x0] =	wrdreg $0xFFFFFFFF;
	(pc) =	sbr.abs _section_cstart, $3  }
0xc1: {  	[dreg:$0x1] =	wrdreg $0xFFFFFFFF  }
0xc2: {  	_ =	task.clear_ibuf [dreg:s8], $0x2FFFF;
	_ =	strace $0x9FFFFFFF  }
0xc3: {  	(tm) =	ssettm $0x7FFFFFFF  }
tec
execute0_lowered:
.L_overlay_start_1:
0x0: {  	(tag) =	ssettag $0x1  }
0x1: {  	s23 =	rddreg [dreg:$0x0]  }
0x2: {  	s26 =	rddreg [dreg:$0x1];
	s2 =	srdreg.scid  }
0x3: {  	s0 =	rddreg [dreg:$0x2];
	s1 =	stileid.u32;
	s28 =	sand.u32 $0x1, s2  }
0x4: {  	s2 =	simm.s32 $0x0;
	s3 =	sshll.u32 s1, $0x10;
	s4 =	sshll.u32 s28, $0xF  }
0x5: {  	[smem:$0x7FF] =	sst s2;
	s24 =	sor.u32 s4, s3  }
0x6: {  	_ =	strace $0x80000047;
	s3 =	sadd.s32 s23, s24;
	s13 =	sor.u32 $0x1000, s24  }
0x7: {  	v0 =	vlaneseq.u32;
	[tilespmem:s2], [sflag:$0x1] =	stream.linear.gather [hbm4b:s3+s2], $0x8000, $0x38;
	[tilespmem:$0x18000] =	vst v63  }
0x8: {  	s5 =	simm.s32 $0x8000;
	v8 =	vmul.u32 $0x400, v0;
	s17 =	sor.u32 $0x2000, s24;
	s4 =	sadd.s32 s23, s13  }
0x9: {  	[tilespmem:s5], [sflag:$0x2] =	stream.linear.gather [hbm4b:s4+s2], $0x8000, $0x38;
	[tilespmem:$0x18000] =	vst v63  }
0xa: {  	s7 =	simm.s32 $0x10000;
	s8 =	simm.s32 $0x1;
	v0 =	vor.u32 $0x78, v8;
	s6 =	sadd.s32 s23, s17  }
0xb: {  	v1 =	vor.u32 $0x278, v8;
	[tilespmem:s7], [sflag:$0x3] =	stream.linear.gather [hbm4b:s6+s2], $0x8000, $0x38;
	[tilespmem:$0x18000] =	vst v63  }
0xc: {  	v2 =	vor.u32 $0x88, v8;
	_ =	swait.ge [sflag:s8], $0x8000  }
0xd: {  	v3 =	vor.u32 $0x288, v8;
	[sflag:s8] =	ssyncset.done $0x0  }
0xe: {  	v4 =	vimm.f32 $2.000000000e+00;
	v5 =	vor.u32 $0x4078, v8;
	[sflag:s8] =	ssyncadd.s32 $0xFFFF8000  }
0xf: {  	v6 =	vor.u32 $0x4278, v8;
	[tilespmem:v0+s2+$0x0] =	vst.idx.msk $0xffff, v4  }
0x10: {  	v7 =	vor.u32 $0x4088, v8;
	[tilespmem:v1+s2+$0x0] =	vst.idx.msk $0xffff, v4  }
0x11: {  	v8 =	vor.u32 $0x4288, v8;
	[tilespmem:v2+s2+$0x0] =	vst.idx.msk $0xffff, v4  }
0x12: {  	[tilespmem:v3+s2+$0x0] =	vst.idx.msk $0xffff, v4  }
0x13: {  	[tilespmem:v5+s2+$0x0] =	vst.idx.msk $0xffff, v4  }
0x14: {  	[tilespmem:v6+s2+$0x0] =	vst.idx.msk $0xffff, v4  }
0x15: {  	[tilespmem:v7+s2+$0x0] =	vst.idx.msk $0xffff, v4  }
0x16: {  	s10 =	simm.s32 $0x4;
	s9 =	sadd.s32 s26, s24;
	[tilespmem:v8+s2+$0x0] =	vst.idx.msk $0xffff, v4  }
0x17: {  	[hbm4b:s9+s2] =	stream.linear.scatter [tilespmem:s2], [sflag:$0x4], $0x8000, $0x38;
	[tilespmem:$0x18000] =	vst v63  }
0x18: {  	_ =	swait.ge [sflag:s10], $0x8000  }
0x19: {  	s20 =	sor.u32 $0x3000, s24;
	[sflag:s10] =	ssyncset.done $0x0  }
0x1a: {  	s12 =	simm.s32 $0x2;
	s11 =	sadd.s32 s23, s20;
	[sflag:s10] =	ssyncadd.s32 $0xFFFF8000  }
0x1b: {  	[tilespmem:s2], [sflag:$0x1] =	stream.linear.gather [hbm4b:s11+s2], $0x8000, $0x38;
	[tilespmem:$0x18000] =	vst v63  }
0x1c: {  	_ =	swait.ge [sflag:s12], $0x8000  }
0x1d: {  	[sflag:s12] =	ssyncset.done $0x0  }
0x1e: {  	[sflag:s12] =	ssyncadd.s32 $0xFFFF8000  }
0x1f: {  	[tilespmem:v0+s5+$0x0] =	vst.idx.msk $0xffff, v4  }
0x20: {  	[tilespmem:v1+s5+$0x0] =	vst.idx.msk $0xffff, v4  }
0x21: {  	[tilespmem:v2+s5+$0x0] =	vst.idx.msk $0xffff, v4  }
0x22: {  	[tilespmem:v3+s5+$0x0] =	vst.idx.msk $0xffff, v4  }
0x23: {  	[tilespmem:v5+s5+$0x0] =	vst.idx.msk $0xffff, v4  }
0x24: {  	[tilespmem:v6+s5+$0x0] =	vst.idx.msk $0xffff, v4  }
0x25: {  	[tilespmem:v7+s5+$0x0] =	vst.idx.msk $0xffff, v4  }
0x26: {  	s14 =	sadd.s32 s26, s13;
	s13 =	simm.s32 $0x5;
	[tilespmem:v8+s5+$0x0] =	vst.idx.msk $0xffff, v4  }
0x27: {  	[hbm4b:s14+s2] =	stream.linear.scatter [tilespmem:s5], [sflag:$0x5], $0x8000, $0x38;
	[tilespmem:$0x18000] =	vst v63  }
0x28: {  	_ =	swait.ge [sflag:s13], $0x8000  }
0x29: {  	s22 =	sor.u32 $0x4000, s24;
	[sflag:s13] =	ssyncset.done $0x0  }
0x2a: {  	s16 =	simm.s32 $0x3;
	s15 =	sadd.s32 s23, s22;
	[sflag:s13] =	ssyncadd.s32 $0xFFFF8000  }
0x2b: {  	[tilespmem:s5], [sflag:$0x2] =	stream.linear.gather [hbm4b:s15+s2], $0x8000, $0x38;
	[tilespmem:$0x18000] =	vst v63  }
0x2c: {  	_ =	swait.ge [sflag:s16], $0x8000  }
0x2d: {  	[sflag:s16] =	ssyncset.done $0x0  }
0x2e: {  	[sflag:s16] =	ssyncadd.s32 $0xFFFF8000  }
0x2f: {  	[tilespmem:v0+s7+$0x0] =	vst.idx.msk $0xffff, v4  }
0x30: {  	[tilespmem:v1+s7+$0x0] =	vst.idx.msk $0xffff, v4  }
0x31: {  	[tilespmem:v2+s7+$0x0] =	vst.idx.msk $0xffff, v4  }
0x32: {  	[tilespmem:v3+s7+$0x0] =	vst.idx.msk $0xffff, v4  }
0x33: {  	[tilespmem:v5+s7+$0x0] =	vst.idx.msk $0xffff, v4  }
0x34: {  	[tilespmem:v6+s7+$0x0] =	vst.idx.msk $0xffff, v4  }
0x35: {  	[tilespmem:v7+s7+$0x0] =	vst.idx.msk $0xffff, v4  }
0x36: {  	s18 =	simm.s32 $0x6;
	s17 =	sadd.s32 s26, s17;
	[tilespmem:v8+s7+$0x0] =	vst.idx.msk $0xffff, v4  }
0x37: {  	[hbm4b:s17+s2] =	stream.linear.scatter [tilespmem:s7], [sflag:$0x6], $0x8000, $0x38;
	[tilespmem:$0x18000] =	vst v63  }
0x38: {  	_ =	swait.ge [sflag:s18], $0x8000  }
0x39: {  	s25 =	sor.u32 $0x5000, s24;
	[sflag:s18] =	ssyncset.done $0x0  }
0x3a: {  	s19 =	sadd.s32 s23, s25;
	[sflag:s18] =	ssyncadd.s32 $0xFFFF8000  }
0x3b: {  	[tilespmem:s7], [sflag:$0x3] =	stream.linear.gather [hbm4b:s19+s2], $0x8000, $0x38;
	[tilespmem:$0x18000] =	vst v63  }
0x3c: {  	_ =	swait.ge [sflag:s8], $0x8000  }
0x3d: {  	[sflag:s8] =	ssyncset.done $0x0  }
0x3e: {  	[sflag:s8] =	ssyncadd.s32 $0xFFFF8000  }
0x3f: {  	[tilespmem:v0+s2+$0x0] =	vst.idx.msk $0xffff, v4  }
0x40: {  	[tilespmem:v1+s2+$0x0] =	vst.idx.msk $0xffff, v4  }
0x41: {  	[tilespmem:v2+s2+$0x0] =	vst.idx.msk $0xffff, v4  }
0x42: {  	[tilespmem:v3+s2+$0x0] =	vst.idx.msk $0xffff, v4  }
0x43: {  	[tilespmem:v5+s2+$0x0] =	vst.idx.msk $0xffff, v4  }
0x44: {  	[tilespmem:v6+s2+$0x0] =	vst.idx.msk $0xffff, v4  }
0x45: {  	[tilespmem:v7+s2+$0x0] =	vst.idx.msk $0xffff, v4  }
0x46: {  	s20 =	sadd.s32 s26, s20;
	[tilespmem:v8+s2+$0x0] =	vst.idx.msk $0xffff, v4  }
0x47: {  	[hbm4b:s20+s2] =	stream.linear.scatter [tilespmem:s2], [sflag:$0x4], $0x8000, $0x38;
	[tilespmem:$0x18000] =	vst v63  }
0x48: {  	_ =	swait.ge [sflag:s10], $0x8000  }
0x49: {  	s29 =	sor.u32 $0x6000, s24;
	[sflag:s10] =	ssyncset.done $0x0  }
0x4a: {  	s21 =	sadd.s32 s23, s29;
	[sflag:s10] =	ssyncadd.s32 $0xFFFF8000  }
0x4b: {  	[tilespmem:s2], [sflag:$0x1] =	stream.linear.gather [hbm4b:s21+s2], $0x8000, $0x38;
	[tilespmem:$0x18000] =	vst v63  }
0x4c: {  	_ =	swait.ge [sflag:s12], $0x8000  }
0x4d: {  	[sflag:s12] =	ssyncset.done $0x0  }
0x4e: {  	[sflag:s12] =	ssyncadd.s32 $0xFFFF8000  }
0x4f: {  	[tilespmem:v0+s5+$0x0] =	vst.idx.msk $0xffff, v4  }
0x50: {  	[tilespmem:v1+s5+$0x0] =	vst.idx.msk $0xffff, v4  }
0x51: {  	[tilespmem:v2+s5+$0x0] =	vst.idx.msk $0xffff, v4  }
0x52: {  	[tilespmem:v3+s5+$0x0] =	vst.idx.msk $0xffff, v4  }
0x53: {  	[tilespmem:v5+s5+$0x0] =	vst.idx.msk $0xffff, v4  }
0x54: {  	[tilespmem:v6+s5+$0x0] =	vst.idx.msk $0xffff, v4  }
0x55: {  	[tilespmem:v7+s5+$0x0] =	vst.idx.msk $0xffff, v4  }
0x56: {  	s22 =	sadd.s32 s26, s22;
	[tilespmem:v8+s5+$0x0] =	vst.idx.msk $0xffff, v4  }
0x57: {  	[hbm4b:s22+s2] =	stream.linear.scatter [tilespmem:s5], [sflag:$0x5], $0x8000, $0x38;
	[tilespmem:$0x18000] =	vst v63  }
0x58: {  	_ =	swait.ge [sflag:s13], $0x8000  }
0x59: {  	s30 =	sor.u32 $0x7000, s24;
	[sflag:s13] =	ssyncset.done $0x0  }
0x5a: {  	s23 =	sadd.s32 s23, s30;
	[sflag:s13] =	ssyncadd.s32 $0xFFFF8000  }
0x5b: {  	[tilespmem:s5], [sflag:$0x2] =	stream.linear.gather [hbm4b:s23+s2], $0x8000, $0x38;
	[tilespmem:$0x18000] =	vst v63  }
0x5c: {  	_ =	swait.ge [sflag:s16], $0x8000  }
0x5d: {  	[sflag:s16] =	ssyncset.done $0x0  }
0x5e: {  	[sflag:s16] =	ssyncadd.s32 $0xFFFF8000  }
0x5f: {  	[tilespmem:v0+s7+$0x0] =	vst.idx.msk $0xffff, v4  }
0x60: {  	[tilespmem:v1+s7+$0x0] =	vst.idx.msk $0xffff, v4  }
0x61: {  	[tilespmem:v2+s7+$0x0] =	vst.idx.msk $0xffff, v4  }
0x62: {  	[tilespmem:v3+s7+$0x0] =	vst.idx.msk $0xffff, v4  }
0x63: {  	[tilespmem:v5+s7+$0x0] =	vst.idx.msk $0xffff, v4  }
0x64: {  	[tilespmem:v6+s7+$0x0] =	vst.idx.msk $0xffff, v4  }
0x65: {  	[tilespmem:v7+s7+$0x0] =	vst.idx.msk $0xffff, v4  }
0x66: {  	s24 =	sadd.s32 s26, s25;
	[tilespmem:v8+s7+$0x0] =	vst.idx.msk $0xffff, v4  }
0x67: {  	[hbm4b:s24+s2] =	stream.linear.scatter [tilespmem:s7], [sflag:$0x6], $0x8000, $0x38;
	[tilespmem:$0x18000] =	vst v63  }
0x68: {  	_ =	swait.ge [sflag:s8], $0x8000  }
0x69: {  	[sflag:s8] =	ssyncset.done $0x0  }
0x6a: {  	[sflag:s8] =	ssyncadd.s32 $0xFFFF8000  }
0x6b: {  	[tilespmem:v0+s2+$0x0] =	vst.idx.msk $0xffff, v4  }
0x6c: {  	[tilespmem:v1+s2+$0x0] =	vst.idx.msk $0xffff, v4  }
0x6d: {  	[tilespmem:v2+s2+$0x0] =	vst.idx.msk $0xffff, v4  }
0x6e: {  	[tilespmem:v3+s2+$0x0] =	vst.idx.msk $0xffff, v4  }
0x6f: {  	[tilespmem:v5+s2+$0x0] =	vst.idx.msk $0xffff, v4  }
0x70: {  	[tilespmem:v6+s2+$0x0] =	vst.idx.msk $0xffff, v4  }
0x71: {  	[tilespmem:v7+s2+$0x0] =	vst.idx.msk $0xffff, v4  }
0x72: {  	s25 =	sadd.s32 s26, s29;
	[tilespmem:v8+s2+$0x0] =	vst.idx.msk $0xffff, v4  }
0x73: {  	[hbm4b:s25+s2] =	stream.linear.scatter [tilespmem:s2], [sflag:$0x4], $0x8000, $0x38;
	[tilespmem:$0x18000] =	vst v63  }
0x74: {  	_ =	swait.ge [sflag:s12], $0x8000  }
0x75: {  	[sflag:s12] =	ssyncset.done $0x0  }
0x76: {  	[sflag:s12] =	ssyncadd.s32 $0xFFFF8000  }
0x77: {  	[tilespmem:v0+s5+$0x0] =	vst.idx.msk $0xffff, v4  }
0x78: {  	[tilespmem:v1+s5+$0x0] =	vst.idx.msk $0xffff, v4  }
0x79: {  	[tilespmem:v2+s5+$0x0] =	vst.idx.msk $0xffff, v4  }
0x7a: {  	[tilespmem:v3+s5+$0x0] =	vst.idx.msk $0xffff, v4  }
0x7b: {  	[tilespmem:v5+s5+$0x0] =	vst.idx.msk $0xffff, v4  }
0x7c: {  	[tilespmem:v6+s5+$0x0] =	vst.idx.msk $0xffff, v4  }
0x7d: {  	s28 =	ssub.s32 $0x2, s28;
	[tilespmem:v7+s5+$0x0] =	vst.idx.msk $0xffff, v4  }
0x7e: {  	s31 =	sshrl.u32 s28, $0x1;
	s26 =	sadd.s32 s26, s30;
	[tilespmem:v8+s5+$0x0] =	vst.idx.msk $0xffff, v4  }
0x7f: {  	[hbm4b:s26+s2] =	stream.linear.scatter [tilespmem:s5], [sflag:$0x5], $0x8000, $0x38;
	[tilespmem:$0x18000] =	vst v63  }
0x80: {  	s28 =	ssub.s32 s28, s31;
	_ =	swait.ge [sflag:s18], $0x8000  }
0x81: {  	s28 =	smax.u32 s28, $0x1;
	[sflag:s18] =	ssyncset.done $0x0  }
0x82: {  	p0 =	sne.s32 s28, $0x1;
	[sflag:s18] =	ssyncadd.s32 $0xFFFF8000  }
.Ltmp0:
0x83: {  	_ =	swait.ge [sflag:s10], $0x8000;
	(pc) =	sbr.rel @!p0 .LBB2_2-.Ltmp0, $4  }
0x84: {  	[sflag:s10] =	ssyncset.done $0x0  }
0x85: {  	[sflag:s10] =	ssyncadd.s32 $0xFFFF8000  }
0x86: {  	_ =	swait.ge [sflag:s13], $0x8000  }
0x87: {  	s28 =	sadd.s32 $0xFFFFFFFF, s28;
	[sflag:s13] =	ssyncset.done $0x0  }
.LBB2_1:
0x88: {  	p0 =	sne.s32 s28, $0x1;
	s28 =	sadd.s32 $0xFFFFFFFF, s28;
	[sflag:s13] =	ssyncadd.s32 $0xFFFF8000  }
0x89: {  	[tilespmem:s2], [sflag:$0x1] =	stream.linear.gather [hbm4b:s3+s2], $0x8000, $0x38;
	[tilespmem:$0x18000] =	vst v63  }
0x8a: {  	_ = 	snop  }
0x8b: {  	[tilespmem:s5], [sflag:$0x2] =	stream.linear.gather [hbm4b:s4+s2], $0x8000, $0x38;
	[tilespmem:$0x18000] =	vst v63  }
0x8c: {  	_ = 	snop  }
0x8d: {  	[tilespmem:s7], [sflag:$0x3] =	stream.linear.gather [hbm4b:s6+s2], $0x8000, $0x38;
	[tilespmem:$0x18000] =	vst v63  }
0x8e: {  	_ =	swait.ge [sflag:s8], $0x8000  }
0x8f: {  	[sflag:s8] =	ssyncset.done $0x0  }
0x90: {  	[sflag:s8] =	ssyncadd.s32 $0xFFFF8000  }
0x91: {  	[tilespmem:v0+s2+$0x0] =	vst.idx.msk $0xffff, v4  }
0x92: {  	[tilespmem:v1+s2+$0x0] =	vst.idx.msk $0xffff, v4  }
0x93: {  	[tilespmem:v2+s2+$0x0] =	vst.idx.msk $0xffff, v4  }
0x94: {  	[tilespmem:v3+s2+$0x0] =	vst.idx.msk $0xffff, v4  }
0x95: {  	[tilespmem:v5+s2+$0x0] =	vst.idx.msk $0xffff, v4  }
0x96: {  	[tilespmem:v6+s2+$0x0] =	vst.idx.msk $0xffff, v4  }
0x97: {  	[tilespmem:v7+s2+$0x0] =	vst.idx.msk $0xffff, v4  }
0x98: {  	[tilespmem:v8+s2+$0x0] =	vst.idx.msk $0xffff, v4  }
0x99: {  	[hbm4b:s9+s2] =	stream.linear.scatter [tilespmem:s2], [sflag:$0x4], $0x8000, $0x38;
	[tilespmem:$0x18000] =	vst v63  }
0x9a: {  	_ =	swait.ge [sflag:s10], $0x8000  }
0x9b: {  	[sflag:s10] =	ssyncset.done $0x0  }
0x9c: {  	[sflag:s10] =	ssyncadd.s32 $0xFFFF8000  }
0x9d: {  	[tilespmem:s2], [sflag:$0x1] =	stream.linear.gather [hbm4b:s11+s2], $0x8000, $0x38;
	[tilespmem:$0x18000] =	vst v63  }
0x9e: {  	_ =	swait.ge [sflag:s12], $0x8000  }
0x9f: {  	[sflag:s12] =	ssyncset.done $0x0  }
0xa0: {  	[sflag:s12] =	ssyncadd.s32 $0xFFFF8000  }
0xa1: {  	[tilespmem:v0+s5+$0x0] =	vst.idx.msk $0xffff, v4  }
0xa2: {  	[tilespmem:v1+s5+$0x0] =	vst.idx.msk $0xffff, v4  }
0xa3: {  	[tilespmem:v2+s5+$0x0] =	vst.idx.msk $0xffff, v4  }
0xa4: {  	[tilespmem:v3+s5+$0x0] =	vst.idx.msk $0xffff, v4  }
0xa5: {  	[tilespmem:v5+s5+$0x0] =	vst.idx.msk $0xffff, v4  }
0xa6: {  	[tilespmem:v6+s5+$0x0] =	vst.idx.msk $0xffff, v4  }
0xa7: {  	[tilespmem:v7+s5+$0x0] =	vst.idx.msk $0xffff, v4  }
0xa8: {  	[tilespmem:v8+s5+$0x0] =	vst.idx.msk $0xffff, v4  }
0xa9: {  	[hbm4b:s14+s2] =	stream.linear.scatter [tilespmem:s5], [sflag:$0x5], $0x8000, $0x38;
	[tilespmem:$0x18000] =	vst v63  }
0xaa: {  	_ =	swait.ge [sflag:s13], $0x8000  }
0xab: {  	[sflag:s13] =	ssyncset.done $0x0  }
0xac: {  	[sflag:s13] =	ssyncadd.s32 $0xFFFF8000  }
0xad: {  	[tilespmem:s5], [sflag:$0x2] =	stream.linear.gather [hbm4b:s15+s2], $0x8000, $0x38;
	[tilespmem:$0x18000] =	vst v63  }
0xae: {  	_ =	swait.ge [sflag:s16], $0x8000  }
0xaf: {  	[sflag:s16] =	ssyncset.done $0x0  }
0xb0: {  	[sflag:s16] =	ssyncadd.s32 $0xFFFF8000  }
0xb1: {  	[tilespmem:v0+s7+$0x0] =	vst.idx.msk $0xffff, v4  }
0xb2: {  	[tilespmem:v1+s7+$0x0] =	vst.idx.msk $0xffff, v4  }
0xb3: {  	[tilespmem:v2+s7+$0x0] =	vst.idx.msk $0xffff, v4  }
0xb4: {  	[tilespmem:v3+s7+$0x0] =	vst.idx.msk $0xffff, v4  }
0xb5: {  	[tilespmem:v5+s7+$0x0] =	vst.idx.msk $0xffff, v4  }
0xb6: {  	[tilespmem:v6+s7+$0x0] =	vst.idx.msk $0xffff, v4  }
0xb7: {  	[tilespmem:v7+s7+$0x0] =	vst.idx.msk $0xffff, v4  }
0xb8: {  	[tilespmem:v8+s7+$0x0] =	vst.idx.msk $0xffff, v4  }
0xb9: {  	[hbm4b:s17+s2] =	stream.linear.scatter [tilespmem:s7], [sflag:$0x6], $0x8000, $0x38;
	[tilespmem:$0x18000] =	vst v63  }
0xba: {  	_ =	swait.ge [sflag:s18], $0x8000  }
0xbb: {  	[sflag:s18] =	ssyncset.done $0x0  }
0xbc: {  	[sflag:s18] =	ssyncadd.s32 $0xFFFF8000  }
0xbd: {  	[tilespmem:s7], [sflag:$0x3] =	stream.linear.gather [hbm4b:s19+s2], $0x8000, $0x38;
	[tilespmem:$0x18000] =	vst v63  }
0xbe: {  	_ =	swait.ge [sflag:s8], $0x8000  }
0xbf: {  	[sflag:s8] =	ssyncset.done $0x0  }
0xc0: {  	[sflag:s8] =	ssyncadd.s32 $0xFFFF8000  }
0xc1: {  	[tilespmem:v0+s2+$0x0] =	vst.idx.msk $0xffff, v4  }
0xc2: {  	[tilespmem:v1+s2+$0x0] =	vst.idx.msk $0xffff, v4  }
0xc3: {  	[tilespmem:v2+s2+$0x0] =	vst.idx.msk $0xffff, v4  }
0xc4: {  	[tilespmem:v3+s2+$0x0] =	vst.idx.msk $0xffff, v4  }
0xc5: {  	[tilespmem:v5+s2+$0x0] =	vst.idx.msk $0xffff, v4  }
0xc6: {  	[tilespmem:v6+s2+$0x0] =	vst.idx.msk $0xffff, v4  }
0xc7: {  	[tilespmem:v7+s2+$0x0] =	vst.idx.msk $0xffff, v4  }
0xc8: {  	[tilespmem:v8+s2+$0x0] =	vst.idx.msk $0xffff, v4  }
0xc9: {  	[hbm4b:s20+s2] =	stream.linear.scatter [tilespmem:s2], [sflag:$0x4], $0x8000, $0x38;
	[tilespmem:$0x18000] =	vst v63  }
0xca: {  	_ =	swait.ge [sflag:s10], $0x8000  }
0xcb: {  	[sflag:s10] =	ssyncset.done $0x0  }
0xcc: {  	[sflag:s10] =	ssyncadd.s32 $0xFFFF8000  }
0xcd: {  	[tilespmem:s2], [sflag:$0x1] =	stream.linear.gather [hbm4b:s21+s2], $0x8000, $0x38;
	[tilespmem:$0x18000] =	vst v63  }
0xce: {  	_ =	swait.ge [sflag:s12], $0x8000  }
0xcf: {  	[sflag:s12] =	ssyncset.done $0x0  }
0xd0: {  	[sflag:s12] =	ssyncadd.s32 $0xFFFF8000  }
0xd1: {  	[tilespmem:v0+s5+$0x0] =	vst.idx.msk $0xffff, v4  }
0xd2: {  	[tilespmem:v1+s5+$0x0] =	vst.idx.msk $0xffff, v4  }
0xd3: {  	[tilespmem:v2+s5+$0x0] =	vst.idx.msk $0xffff, v4  }
0xd4: {  	[tilespmem:v3+s5+$0x0] =	vst.idx.msk $0xffff, v4  }
0xd5: {  	[tilespmem:v5+s5+$0x0] =	vst.idx.msk $0xffff, v4  }
0xd6: {  	[tilespmem:v6+s5+$0x0] =	vst.idx.msk $0xffff, v4  }
0xd7: {  	[tilespmem:v7+s5+$0x0] =	vst.idx.msk $0xffff, v4  }
0xd8: {  	[tilespmem:v8+s5+$0x0] =	vst.idx.msk $0xffff, v4  }
0xd9: {  	[hbm4b:s22+s2] =	stream.linear.scatter [tilespmem:s5], [sflag:$0x5], $0x8000, $0x38;
	[tilespmem:$0x18000] =	vst v63  }
0xda: {  	_ =	swait.ge [sflag:s13], $0x8000  }
0xdb: {  	[sflag:s13] =	ssyncset.done $0x0  }
0xdc: {  	[sflag:s13] =	ssyncadd.s32 $0xFFFF8000  }
0xdd: {  	[tilespmem:s5], [sflag:$0x2] =	stream.linear.gather [hbm4b:s23+s2], $0x8000, $0x38;
	[tilespmem:$0x18000] =	vst v63  }
0xde: {  	_ =	swait.ge [sflag:s16], $0x8000  }
0xdf: {  	[sflag:s16] =	ssyncset.done $0x0  }
0xe0: {  	[sflag:s16] =	ssyncadd.s32 $0xFFFF8000  }
0xe1: {  	[tilespmem:v0+s7+$0x0] =	vst.idx.msk $0xffff, v4  }
0xe2: {  	[tilespmem:v1+s7+$0x0] =	vst.idx.msk $0xffff, v4  }
0xe3: {  	[tilespmem:v2+s7+$0x0] =	vst.idx.msk $0xffff, v4  }
0xe4: {  	[tilespmem:v3+s7+$0x0] =	vst.idx.msk $0xffff, v4  }
0xe5: {  	[tilespmem:v5+s7+$0x0] =	vst.idx.msk $0xffff, v4  }
0xe6: {  	[tilespmem:v6+s7+$0x0] =	vst.idx.msk $0xffff, v4  }
0xe7: {  	[tilespmem:v7+s7+$0x0] =	vst.idx.msk $0xffff, v4  }
0xe8: {  	[tilespmem:v8+s7+$0x0] =	vst.idx.msk $0xffff, v4  }
0xe9: {  	[hbm4b:s24+s2] =	stream.linear.scatter [tilespmem:s7], [sflag:$0x6], $0x8000, $0x38;
	[tilespmem:$0x18000] =	vst v63  }
0xea: {  	_ =	swait.ge [sflag:s8], $0x8000  }
0xeb: {  	[sflag:s8] =	ssyncset.done $0x0  }
0xec: {  	[sflag:s8] =	ssyncadd.s32 $0xFFFF8000  }
0xed: {  	[tilespmem:v0+s2+$0x0] =	vst.idx.msk $0xffff, v4  }
0xee: {  	[tilespmem:v1+s2+$0x0] =	vst.idx.msk $0xffff, v4  }
0xef: {  	[tilespmem:v2+s2+$0x0] =	vst.idx.msk $0xffff, v4  }
0xf0: {  	[tilespmem:v3+s2+$0x0] =	vst.idx.msk $0xffff, v4  }
0xf1: {  	[tilespmem:v5+s2+$0x0] =	vst.idx.msk $0xffff, v4  }
0xf2: {  	[tilespmem:v6+s2+$0x0] =	vst.idx.msk $0xffff, v4  }
0xf3: {  	[tilespmem:v7+s2+$0x0] =	vst.idx.msk $0xffff, v4  }
0xf4: {  	[tilespmem:v8+s2+$0x0] =	vst.idx.msk $0xffff, v4  }
0xf5: {  	[hbm4b:s25+s2] =	stream.linear.scatter [tilespmem:s2], [sflag:$0x4], $0x8000, $0x38;
	[tilespmem:$0x18000] =	vst v63  }
0xf6: {  	_ =	swait.ge [sflag:s12], $0x8000  }
0xf7: {  	[sflag:s12] =	ssyncset.done $0x0  }
0xf8: {  	[sflag:s12] =	ssyncadd.s32 $0xFFFF8000  }
0xf9: {  	[tilespmem:v0+s5+$0x0] =	vst.idx.msk $0xffff, v4  }
0xfa: {  	[tilespmem:v1+s5+$0x0] =	vst.idx.msk $0xffff, v4  }
0xfb: {  	[tilespmem:v2+s5+$0x0] =	vst.idx.msk $0xffff, v4  }
0xfc: {  	[tilespmem:v3+s5+$0x0] =	vst.idx.msk $0xffff, v4  }
0xfd: {  	[tilespmem:v5+s5+$0x0] =	vst.idx.msk $0xffff, v4  }
0xfe: {  	[tilespmem:v6+s5+$0x0] =	vst.idx.msk $0xffff, v4  }
0xff: {  	[tilespmem:v7+s5+$0x0] =	vst.idx.msk $0xffff, v4  }
0x100: {  	[tilespmem:v8+s5+$0x0] =	vst.idx.msk $0xffff, v4  }
0x101: {  	[hbm4b:s26+s2] =	stream.linear.scatter [tilespmem:s5], [sflag:$0x5], $0x8000, $0x38;
	[tilespmem:$0x18000] =	vst v63  }
0x102: {  	_ =	swait.ge [sflag:s18], $0x8000  }
0x103: {  	[sflag:s18] =	ssyncset.done $0x0  }
0x104: {  	[sflag:s18] =	ssyncadd.s32 $0xFFFF8000  }
.Ltmp1:
0x105: {  	_ =	swait.ge [sflag:s10], $0x8000;
	(pc) =	sbr.rel @p0 .LBB2_1-.Ltmp1, $4  }
0x106: {  	[sflag:s10] =	ssyncset.done $0x0  }
0x107: {  	[sflag:s10] =	ssyncadd.s32 $0xFFFF8000  }
0x108: {  	_ =	swait.ge [sflag:s13], $0x8000  }
0x109: {  	[sflag:s13] =	ssyncset.done $0x0  }
.LBB2_2:
0x10a: {  	[sflag:s13] =	ssyncadd.s32 $0xFFFF8000  }
0x10b: {  	_ =	sfence.sel $0x180000  }
0x10c: {  	[bflag:$0x0] =	sbarrier.arrive $0xFFFF  }
0x10d: {  	p0 =	sne.s32 s1, $0x0;
	_ =	strace $0x90000047  }
0x10e: {  	s0 =	sadd.s32 @!p0 $0x100000, s0;
	[bflag:$0x2] =	sbarrier.arrive $0xFFFF  }
0x10f: {  	[sflag:s0] =	ssyncadd.tile.s32 @!p0 $0x1;
	_ =	shalt  }
.Lfunc_end2:
_tile_overlayer_lowered:
.L_overlay_start_2:
0x110: {  	(tag) =	ssettag $0x2  }
0x111: {  	s0 =	rddreg [dreg:$0x0];
	s2 =	stileid.u32  }
0x112: {  	s1 =	rddreg [dreg:$0x1];
	p0 =	sne.s32 s2, $0x0  }
0x113: {  	s3 =	rddreg [dreg:$0x2];
	[bflag:$0x3] =	sbarrier.arrive $0xFFFF;
	s2 =	simm.s32 @!p0 $0x1C07  }
0x114: {  	[timem:s3], [sflag:s2] =	dma.local @!p0 [hbm:s0], s1  }
0x115: {  	s0 =	simm.s32 @!p0 $0x7  }
0x116: {  	_ =	swait.ge @!p0 [sflag:s0], s1  }
0x117: {  	s1 =	ssub.s32 @!p0 $0x0, s1;
	[sflag:s0] =	ssyncset.done @!p0 $0x0  }
0x118: {  	[sflag:s0] =	ssyncadd.s32 @!p0 s1  }
0x119: {  	[bflag:$0x3] =	sbarrier.arrive $0xFFFF  }
0x11a: {  	_ =	shalt  }

</sc_bundles>
